<compile_context>
chip_gen: v7x
topology: tpu7x:2x2x1
jax: 0.10.2.dev20260603
libtpu: 0.0.44.dev20260713+nightly
codegen_flags: <defaults>
</compile_context>

<pallas_src>
import jax
import jax.numpy as jnp
from jax import lax
from jax.experimental import pallas as pl
from jax.experimental.pallas import tpu as pltpu
from jax.experimental.pallas import tpu_sc as plsc

N = 10000
E = 160000
D = 256
H = 128
NP = 10240
NC = 2
NS = 16
NW = NC * NS

EPW = E // NW
DEG_FULL = EPW // 16
DEG_TAIL = EPW - DEG_FULL * 16

EPT = E // NS
C = 80
NCHUNK = EPT // C
RPT = NP // NS

import functools


@functools.cache
def _mesh():
    return plsc.VectorSubcoreMesh(core_axis_name="c", subcore_axis_name="s",
                                  num_cores=NC, num_subcores=NS)


def _deg_body(dst_hbm, degp_hbm, dstv, hist):
    c = lax.axis_index("c")
    s = lax.axis_index("s")
    wid = s * NC + c

    zero16 = jnp.zeros((16,), jnp.float32)

    @pl.loop(0, NP // 16)
    def _(i):
        hist[pl.ds(i * 16, 16)] = zero16

    dstv[pl.ds(DEG_FULL * 16, 16)] = jnp.zeros((16,), jnp.int32)

    base = pl.multiple_of(wid * EPW, 8)
    pltpu.sync_copy(dst_hbm.at[pl.ds(base, EPW)], dstv.at[pl.ds(0, EPW)])

    ones16 = jnp.ones((16,), jnp.float32)

    @pl.loop(0, DEG_FULL)
    def _(j):
        idx = dstv[pl.ds(j * 16, 16)]
        plsc.addupdate_scatter(hist, (idx,), ones16)

    tail = dstv[pl.ds(DEG_FULL * 16, 16)]
    mask = lax.iota(jnp.int32, 16) < DEG_TAIL
    plsc.addupdate_scatter(hist, (tail,), ones16, mask=mask)

    pltpu.sync_copy(hist, degp_hbm.at[wid])


def _deg_kernel(dst):
    return pl.kernel(
        _deg_body,
        out_type=jax.ShapeDtypeStruct((NW, NP), jnp.float32),
        mesh=_mesh(),
        compiler_params=pltpu.CompilerParams(needs_layout_passes=False),
        scratch_types=[
            pltpu.VMEM((EPW + 16,), jnp.int32),
            pltpu.VMEM((NP,), jnp.float32),
        ],
    )(dst)


def _agg_body(src3_hbm, dst3_hbm, mlo_hbm, mhi_hbm, zrows_hbm,
              out_lo, out_hi, srcv, dstv, rows0, rows1, agg_sh, sem0, sem1):
    c = lax.axis_index("c")
    s = lax.axis_index("s")

    pltpu.sync_copy(src3_hbm.at[pl.ds(s * EPT, EPT)], srcv)
    pltpu.sync_copy(dst3_hbm.at[s], dstv)
    pltpu.sync_copy(zrows_hbm, agg_sh.at[pl.ds(s * RPT, RPT)])
    plsc.subcore_barrier()

    def gather_start(j, buf, sem):
        idx = srcv.at[pl.ds(pl.multiple_of(j * C, 8), C)]

        @pl.when(c == 0)
        def _():
            pltpu.async_copy(mlo_hbm.at[idx], buf, sem)

        @pl.when(c == 1)
        def _():
            pltpu.async_copy(mhi_hbm.at[idx], buf, sem)

    def gather_wait(buf, sem):
        pltpu.make_async_copy(mlo_hbm.at[pl.ds(0, C)], buf, sem).wait()

    def scatter(j, buf):
        pltpu.sync_copy(buf, agg_sh.at[dstv.at[j]], add=True)

    gather_start(0, rows0, sem0)

    @pl.loop(0, (NCHUNK - 1) // 2)
    def _(j2):
        j = 2 * j2
        gather_start(j + 1, rows1, sem1)
        gather_wait(rows0, sem0)
        scatter(j, rows0)

        @pl.when(j + 2 < NCHUNK)
        def _():
            gather_start(j + 2, rows0, sem0)

        gather_wait(rows1, sem1)
        scatter(j + 1, rows1)

    if NCHUNK % 2 == 1:
        gather_wait(rows0, sem0)
        scatter(NCHUNK - 1, rows0)

    plsc.subcore_barrier()

    slc = pl.ds(s * RPT, RPT)

    @pl.when(c == 0)
    def _():
        pltpu.sync_copy(agg_sh.at[slc], out_lo.at[slc])

    @pl.when(c == 1)
    def _():
        pltpu.sync_copy(agg_sh.at[slc], out_hi.at[slc])


def _agg_kernel(src3, dst3, mlo, mhi, zrows):
    out = jax.ShapeDtypeStruct((NP, H), jnp.float32)
    return pl.kernel(
        _agg_body,
        out_type=(out, out),
        mesh=_mesh(),
        compiler_params=pltpu.CompilerParams(needs_layout_passes=False),
        scratch_types=[
            pltpu.VMEM((EPT,), jnp.int32),
            pltpu.VMEM((NCHUNK, C), jnp.int32),
            pltpu.VMEM((C, H), jnp.float32),
            pltpu.VMEM((C, H), jnp.float32),
            pltpu.VMEM_SHARED((NP, H), jnp.float32),
            pltpu.SemaphoreType.DMA,
            pltpu.SemaphoreType.DMA,
        ],
    )(src3, dst3, mlo, mhi, zrows)


R = 1024
GRID = NP // R


def _dinv(degp_blk):
    deg = jnp.sum(degp_blk, axis=1, keepdims=True)
    return lax.rsqrt(jnp.maximum(deg, 1.0))


def _mm1_body(x_ref, degp_ref, w_ref, lo_ref, hi_ref):
    dinv = _dinv(degp_ref[...])
    m = jnp.dot(x_ref[...], w_ref[...],
                preferred_element_type=jnp.float32) * dinv
    lo_ref[...] = m[:, :H]
    hi_ref[...] = m[:, H:]


def _mm2_body(lo_ref, hi_ref, degp_ref, b_ref, w_ref, olo_ref, ohi_ref):
    dinv = _dinv(degp_ref[...])
    h = jnp.concatenate([lo_ref[...], hi_ref[...]], axis=1) * dinv + b_ref[...]
    m = jnp.dot(h, w_ref[...], preferred_element_type=jnp.float32) * dinv
    olo_ref[...] = m[:, :H]
    ohi_ref[...] = m[:, H:]


def _fin_body(lo_ref, hi_ref, degp_ref, b_ref, o_ref):
    dinv = _dinv(degp_ref[...])
    o_ref[...] = (jnp.concatenate([lo_ref[...], hi_ref[...]], axis=1) * dinv
                  + b_ref[...])


def _row_spec(w):
    return pl.BlockSpec((R, w), lambda i: (i, 0))


def _rep_spec(shp):
    return pl.BlockSpec(shp, lambda i: (0,) * len(shp))


_half_out = (jax.ShapeDtypeStruct((NP, H), jnp.float32),
             jax.ShapeDtypeStruct((NP, H), jnp.float32))


def _mm1(x, degp, w1):
    return pl.pallas_call(
        _mm1_body,
        grid=(GRID,),
        in_specs=[_row_spec(D), _row_spec(NW), _rep_spec((D, D))],
        out_specs=(_row_spec(H), _row_spec(H)),
        out_shape=_half_out,
    )(x, degp, w1)


def _mm2(lo, hi, degp, b1, w2):
    return pl.pallas_call(
        _mm2_body,
        grid=(GRID,),
        in_specs=[_row_spec(H), _row_spec(H), _row_spec(NW),
                  _rep_spec((1, D)), _rep_spec((D, D))],
        out_specs=(_row_spec(H), _row_spec(H)),
        out_shape=_half_out,
    )(lo, hi, degp, b1, w2)


def _fin(lo, hi, degp, b2):
    return pl.pallas_call(
        _fin_body,
        grid=(GRID,),
        in_specs=[_row_spec(H), _row_spec(H), _row_spec(NW),
                  _rep_spec((1, D))],
        out_specs=_row_spec(D),
        out_shape=jax.ShapeDtypeStruct((NP, D), jnp.float32),
    )(lo, hi, degp, b2)


@jax.jit
def kernel(x, edge_index, W1, b1, W2, b2):
    src = edge_index[0]
    dst = edge_index[1]
    src3 = src
    dst3 = dst.reshape(NS, NCHUNK, C)

    x_p = jnp.pad(x, ((0, NP - N), (0, 0)))
    zrows = jnp.zeros((RPT, H), jnp.float32)

    degp = _deg_kernel(dst)
    degp_t = degp.T

    m1_lo, m1_hi = _mm1(x_p, degp_t, W1)
    a1_lo, a1_hi = _agg_kernel(src3, dst3, m1_lo, m1_hi, zrows)
    m2_lo, m2_hi = _mm2(a1_lo, a1_hi, degp_t, b1.reshape(1, D), W2)
    a2_lo, a2_hi = _agg_kernel(src3, dst3, m2_lo, m2_hi, zrows)
    out = _fin(a2_lo, a2_hi, degp_t, b2.reshape(1, D))
    return out[:N]

# --- scband reference (transcript-rebuilt; emitter-appended) ---
"""Pipeline reference for scband-gcn-3023656976828 (READ-ONLY COPY).

The authoritative reference and input builder live on the scoring server;
editing this copy changes nothing except your own understanding.
"""

import jax, jax.numpy as jnp
import numpy as np

N = 10000
E = 160000
D_IN = 256
D_HID = 256
D_OUT = 256


def setup_inputs(seed: int = 0) -> dict:
    key = jax.random.key(seed)
    k1, k2, k3, k4, k5, k6 = jax.random.split(key, 6)
    x = jax.random.normal(k1, (N, D_IN), dtype=jnp.float32)
    edge_index = jax.random.randint(k2, (2, E), 0, N, dtype=jnp.int32)
    W1 = jax.random.normal(k3, (D_IN, D_HID), dtype=jnp.float32) * (1.0 / np.sqrt(D_IN))
    b1 = jnp.zeros((D_HID,), dtype=jnp.float32)
    W2 = jax.random.normal(k4, (D_HID, D_OUT), dtype=jnp.float32) * (1.0 / np.sqrt(D_HID))
    b2 = jnp.zeros((D_OUT,), dtype=jnp.float32)
    return {"x": x, "edge_index": edge_index, "W1": W1, "b1": b1, "W2": W2, "b2": b2}


def _gcn_layer(h, src, dst, norm, W, b):
    # GCNConv: out = D^{-1/2} A D^{-1/2} (h W) + b
    m = h @ W
    msgs = jnp.take(m, src, axis=0) * norm[:, None]
    agg = jax.ops.segment_sum(msgs, dst, num_segments=N)
    return agg + b


def reference(x, edge_index, W1, b1, W2, b2):
    src = edge_index[0]
    dst = edge_index[1]
    ones = jnp.ones((E,), dtype=jnp.float32)
    deg = jax.ops.segment_sum(ones, dst, num_segments=N)
    deg = jnp.maximum(deg, 1.0)
    dinv = jax.lax.rsqrt(deg)
    norm = jnp.take(dinv, src) * jnp.take(dinv, dst)
    h = _gcn_layer(x, src, dst, norm, W1, b1)   # conv1
    out = _gcn_layer(h, src, dst, norm, W2, b2)  # conv2
    return out

if __name__ == "__main__":
    import jax
    _d = setup_inputs()
    print(jax.jit(kernel)(*tuple(_d.values())))

</pallas_src>

<mosaic_0001>
#map = affine_map<(d0, d1) -> (0)>
#map1 = affine_map<(d0, d1) -> (0, 0, 0)>
#map2 = affine_map<(d0, d1) -> (0, 0)>
module attributes {stable_mosaic.version = 14 : i64} {
  func.func @_agg_body(%arg0: i32, %arg1: i32, %arg2: memref<160000xi32, #tpu.memory_space<hbm>>, %arg3: memref<16x125x80xi32, #tpu.memory_space<hbm>>, %arg4: memref<10240x128xf32, #tpu.memory_space<hbm>>, %arg5: memref<10240x128xf32, #tpu.memory_space<hbm>>, %arg6: memref<640x128xf32, #tpu.memory_space<hbm>>, %arg7: memref<10240x128xf32, #tpu.memory_space<hbm>>, %arg8: memref<10240x128xf32, #tpu.memory_space<hbm>>, %arg9: memref<10000xi32, #tpu.memory_space<vmem>>, %arg10: memref<125x80xi32, #tpu.memory_space<vmem>>, %arg11: memref<80x128xf32, #tpu.memory_space<vmem>>, %arg12: memref<80x128xf32, #tpu.memory_space<vmem>>, %arg13: memref<10240x128xf32, #tpu.memory_space<vmem_shared>>, %arg14: memref<!tpu.dma_semaphore, #tpu.memory_space<semaphore_mem>>, %arg15: memref<!tpu.dma_semaphore, #tpu.memory_space<semaphore_mem>>) attributes {dimension_semantics = [#tpu.dimension_semantics<core_parallel>, #tpu.dimension_semantics<subcore_parallel>], iteration_bounds = array<i64: 2, 16>, scalar_prefetch = 0 : i64, scratch_operands = 7 : i64, tpu.core_type = #tpu.core_type<sc_vector_subcore>, window_params = [{transform_indices = #map}, {transform_indices = #map1}, {transform_indices = #map2}, {transform_indices = #map2}, {transform_indices = #map2}, {transform_indices = #map2}, {transform_indices = #map2}]} {
    %mul3A = arith.constant 10000 : i32
    %mul3A_0 = arith.muli %arg1, %mul3A : i32
    "tpu.region"() ({
      %run_scoped3A_33 = tpu.sem_alloc : memref<!tpu.dma_semaphore, #tpu.memory_space<semaphore_mem>>
      %dma_start3A = tpu.memref_slice %arg2[%mul3A_0] : memref<160000xi32, #tpu.memory_space<hbm>> -> memref<10000xi32, #tpu.memory_space<hbm>>
      %dma_start3A_34 = tpu.memref_slice %arg2[%mul3A_0] : memref<160000xi32, #tpu.memory_space<hbm>> -> memref<10000xi32, #tpu.memory_space<hbm>>
      tpu.enqueue_dma source(%dma_start3A_34 : memref<10000xi32, #tpu.memory_space<hbm>>) target(%arg9 : memref<10000xi32, #tpu.memory_space<vmem>>) target_semaphore(%run_scoped3A_33 : memref<!tpu.dma_semaphore, #tpu.memory_space<semaphore_mem>>)
      %dma_wait3A_35 = tpu.memref_slice %arg2[%mul3A_0] : memref<160000xi32, #tpu.memory_space<hbm>> -> memref<10000xi32, #tpu.memory_space<hbm>>
      %dma_wait3A_36 = tpu.memref_slice %arg2[%mul3A_0] : memref<160000xi32, #tpu.memory_space<hbm>> -> memref<10000xi32, #tpu.memory_space<hbm>>
      tpu.wait_dma2 semaphore(%run_scoped3A_33 : memref<!tpu.dma_semaphore, #tpu.memory_space<semaphore_mem>>) src(%dma_wait3A_36 : memref<10000xi32, #tpu.memory_space<hbm>>) dst(%arg9 : memref<10000xi32, #tpu.memory_space<vmem>>)
      tpu.yield
    }) : () -> ()
    "tpu.region"() ({
      %run_scoped3A_33 = tpu.sem_alloc : memref<!tpu.dma_semaphore, #tpu.memory_space<semaphore_mem>>
      %dma_start3A = arith.constant 0 : i32
      %dma_start3A_34 = arith.constant 0 : i32
      %dma_start3A_35 = tpu.memref_slice %arg3[%arg1, %dma_start3A, %dma_start3A_34] : memref<16x125x80xi32, #tpu.memory_space<hbm>> -> memref<1x125x80xi32, #tpu.memory_space<hbm>>
      %dma_start3A_36 = tpu.memref_squeeze %dma_start3A_35 : memref<1x125x80xi32, #tpu.memory_space<hbm>> -> memref<125x80xi32, #tpu.memory_space<hbm>>
      %dma_start3A_37 = arith.constant 0 : i32
      %dma_start3A_38 = arith.constant 0 : i32
      %dma_start3A_39 = tpu.memref_slice %arg3[%arg1, %dma_start3A_37, %dma_start3A_38] : memref<16x125x80xi32, #tpu.memory_space<hbm>> -> memref<1x125x80xi32, #tpu.memory_space<hbm>>
      %dma_start3A_40 = tpu.memref_squeeze %dma_start3A_39 : memref<1x125x80xi32, #tpu.memory_space<hbm>> -> memref<125x80xi32, #tpu.memory_space<hbm>>
      tpu.enqueue_dma source(%dma_start3A_40 : memref<125x80xi32, #tpu.memory_space<hbm>>) target(%arg10 : memref<125x80xi32, #tpu.memory_space<vmem>>) target_semaphore(%run_scoped3A_33 : memref<!tpu.dma_semaphore, #tpu.memory_space<semaphore_mem>>)
      %dma_wait3A_41 = arith.constant 0 : i32
      %dma_wait3A_42 = arith.constant 0 : i32
      %dma_wait3A_43 = tpu.memref_slice %arg3[%arg1, %dma_wait3A_41, %dma_wait3A_42] : memref<16x125x80xi32, #tpu.memory_space<hbm>> -> memref<1x125x80xi32, #tpu.memory_space<hbm>>
      %dma_wait3A_44 = tpu.memref_squeeze %dma_wait3A_43 : memref<1x125x80xi32, #tpu.memory_space<hbm>> -> memref<125x80xi32, #tpu.memory_space<hbm>>
      %dma_wait3A_45 = arith.constant 0 : i32
      %dma_wait3A_46 = arith.constant 0 : i32
      %dma_wait3A_47 = tpu.memref_slice %arg3[%arg1, %dma_wait3A_45, %dma_wait3A_46] : memref<16x125x80xi32, #tpu.memory_space<hbm>> -> memref<1x125x80xi32, #tpu.memory_space<hbm>>
      %dma_wait3A_48 = tpu.memref_squeeze %dma_wait3A_47 : memref<1x125x80xi32, #tpu.memory_space<hbm>> -> memref<125x80xi32, #tpu.memory_space<hbm>>
      tpu.wait_dma2 semaphore(%run_scoped3A_33 : memref<!tpu.dma_semaphore, #tpu.memory_space<semaphore_mem>>) src(%dma_wait3A_48 : memref<125x80xi32, #tpu.memory_space<hbm>>) dst(%arg10 : memref<125x80xi32, #tpu.memory_space<vmem>>)
      tpu.yield
    }) : () -> ()
    %mul3A_1 = arith.constant 640 : i32
    %mul3A_2 = arith.muli %arg1, %mul3A_1 : i32
    "tpu.region"() ({
      %run_scoped3A_33 = tpu.sem_alloc : memref<!tpu.dma_semaphore, #tpu.memory_space<semaphore_mem>>
      %dma_start3A = arith.constant 0 : i32
      %dma_start3A_34 = tpu.memref_slice %arg13[%mul3A_2, %dma_start3A] : memref<10240x128xf32, #tpu.memory_space<vmem_shared>> -> memref<640x128xf32, #tpu.memory_space<vmem_shared>>
      tpu.enqueue_dma source(%arg6 : memref<640x128xf32, #tpu.memory_space<hbm>>) target(%dma_start3A_34 : memref<640x128xf32, #tpu.memory_space<vmem_shared>>) target_semaphore(%run_scoped3A_33 : memref<!tpu.dma_semaphore, #tpu.memory_space<semaphore_mem>>)
      %dma_wait3A_35 = arith.constant 0 : i32
      %dma_wait3A_36 = tpu.memref_slice %arg13[%mul3A_2, %dma_wait3A_35] : memref<10240x128xf32, #tpu.memory_space<vmem_shared>> -> memref<640x128xf32, #tpu.memory_space<vmem_shared>>
      tpu.wait_dma2 semaphore(%run_scoped3A_33 : memref<!tpu.dma_semaphore, #tpu.memory_space<semaphore_mem>>) src(%arg6 : memref<640x128xf32, #tpu.memory_space<hbm>>) dst(%dma_wait3A_36 : memref<640x128xf32, #tpu.memory_space<vmem_shared>>)
      tpu.yield
    }) : () -> ()
    %barrier3A = arith.constant 0 : index
    tpu.barrier barrier_id(%barrier3A)
    %multiple_of3A = arith.constant 0 : i32
    %multiple_of3A_3 = tpu.assume_multiple %multiple_of3A, 8 : i32
    %eq3A = arith.constant 0 : i32
    %eq3A_4 = arith.cmpi eq, %arg0, %eq3A : i32
    %convert_element_type3A = arith.extui %eq3A_4 : i1 to i32
    %cond3A = arith.constant 0 : i32
    %cond3A_5 = arith.cmpi ne, %convert_element_type3A, %cond3A : i32
    scf.if %cond3A_5 {
      %dma_start3A = tpu.memref_slice %arg9[%multiple_of3A_3] : memref<10000xi32, #tpu.memory_space<vmem>> -> memref<80xi32, #tpu.memory_space<vmem>>
      %dma_start3A_33 = arith.constant 0 : i32
      %dma_start3A_34 = arith.constant 0 : i32
      %dma_start3A_35 = tpu.memref_slice %arg4[%dma_start3A_33, %dma_start3A_34] : memref<10240x128xf32, #tpu.memory_space<hbm>> -> memref<10240x128xf32, #tpu.memory_space<hbm>>
      tpu.enqueue_indirect_dma source(%dma_start3A_35 : memref<10240x128xf32, #tpu.memory_space<hbm>>) target(%arg11 : memref<80x128xf32, #tpu.memory_space<vmem>>) offsets(%dma_start3A : memref<80xi32, #tpu.memory_space<vmem>>) semaphore(%arg14 : memref<!tpu.dma_semaphore, #tpu.memory_space<semaphore_mem>>)
    } else {
    }
    %eq3A_6 = arith.constant 1 : i32
    %eq3A_7 = arith.cmpi eq, %arg0, %eq3A_6 : i32
    %convert_element_type3A_8 = arith.extui %eq3A_7 : i1 to i32
    %cond3A_9 = arith.constant 0 : i32
    %cond3A_10 = arith.cmpi ne, %convert_element_type3A_8, %cond3A_9 : i32
    scf.if %cond3A_10 {
      %dma_start3A = tpu.memref_slice %arg9[%multiple_of3A_3] : memref<10000xi32, #tpu.memory_space<vmem>> -> memref<80xi32, #tpu.memory_space<vmem>>
      %dma_start3A_33 = arith.constant 0 : i32
      %dma_start3A_34 = arith.constant 0 : i32
      %dma_start3A_35 = tpu.memref_slice %arg5[%dma_start3A_33, %dma_start3A_34] : memref<10240x128xf32, #tpu.memory_space<hbm>> -> memref<10240x128xf32, #tpu.memory_space<hbm>>
      tpu.enqueue_indirect_dma source(%dma_start3A_35 : memref<10240x128xf32, #tpu.memory_space<hbm>>) target(%arg11 : memref<80x128xf32, #tpu.memory_space<vmem>>) offsets(%dma_start3A : memref<80xi32, #tpu.memory_space<vmem>>) semaphore(%arg14 : memref<!tpu.dma_semaphore, #tpu.memory_space<semaphore_mem>>)
    } else {
    }
    %scan3A = arith.constant 0 : i32
    %scan3A_11 = arith.constant 62 : i32
    %scan3A_12 = arith.addi %scan3A, %scan3A_11 : i32
    %scan3A_13 = arith.constant 1 : i32
    scf.for %scan3A_33 = %scan3A to %scan3A_12 step %scan3A_13  : i32 {
      %mul3A_34 = arith.constant 1 : i32
      %mul3A_35 = arith.muli %scan3A_33, %mul3A_34 : i32
      %add3A = arith.constant 0 : i32
      %add3A_36 = arith.addi %add3A, %mul3A_35 : i32
      %mul3A_37 = arith.constant 2 : i32
      %mul3A_38 = arith.muli %mul3A_37, %add3A_36 : i32
      %add3A_39 = arith.constant 1 : i32
      %add3A_40 = arith.addi %mul3A_38, %add3A_39 : i32
      %mul3A_41 = arith.constant 80 : i32
      %mul3A_42 = arith.muli %add3A_40, %mul3A_41 : i32
      %multiple_of3A_43 = tpu.assume_multiple %mul3A_42, 8 : i32
      %eq3A_44 = arith.constant 0 : i32
      %eq3A_45 = arith.cmpi eq, %arg0, %eq3A_44 : i32
      %convert_element_type3A_46 = arith.extui %eq3A_45 : i1 to i32
      %cond3A_47 = arith.constant 0 : i32
      %cond3A_48 = arith.cmpi ne, %convert_element_type3A_46, %cond3A_47 : i32
      scf.if %cond3A_48 {
        %dma_start3A = tpu.memref_slice %arg9[%multiple_of3A_43] : memref<10000xi32, #tpu.memory_space<vmem>> -> memref<80xi32, #tpu.memory_space<vmem>>
        %dma_start3A_74 = arith.constant 0 : i32
        %dma_start3A_75 = arith.constant 0 : i32
        %dma_start3A_76 = tpu.memref_slice %arg4[%dma_start3A_74, %dma_start3A_75] : memref<10240x128xf32, #tpu.memory_space<hbm>> -> memref<10240x128xf32, #tpu.memory_space<hbm>>
        tpu.enqueue_indirect_dma source(%dma_start3A_76 : memref<10240x128xf32, #tpu.memory_space<hbm>>) target(%arg12 : memref<80x128xf32, #tpu.memory_space<vmem>>) offsets(%dma_start3A : memref<80xi32, #tpu.memory_space<vmem>>) semaphore(%arg15 : memref<!tpu.dma_semaphore, #tpu.memory_space<semaphore_mem>>)
      } else {
      }
      %eq3A_49 = arith.constant 1 : i32
      %eq3A_50 = arith.cmpi eq, %arg0, %eq3A_49 : i32
      %convert_element_type3A_51 = arith.extui %eq3A_50 : i1 to i32
      %cond3A_52 = arith.constant 0 : i32
      %cond3A_53 = arith.cmpi ne, %convert_element_type3A_51, %cond3A_52 : i32
      scf.if %cond3A_53 {
        %dma_start3A = tpu.memref_slice %arg9[%multiple_of3A_43] : memref<10000xi32, #tpu.memory_space<vmem>> -> memref<80xi32, #tpu.memory_space<vmem>>
        %dma_start3A_74 = arith.constant 0 : i32
        %dma_start3A_75 = arith.constant 0 : i32
        %dma_start3A_76 = tpu.memref_slice %arg5[%dma_start3A_74, %dma_start3A_75] : memref<10240x128xf32, #tpu.memory_space<hbm>> -> memref<10240x128xf32, #tpu.memory_space<hbm>>
        tpu.enqueue_indirect_dma source(%dma_start3A_76 : memref<10240x128xf32, #tpu.memory_space<hbm>>) target(%arg12 : memref<80x128xf32, #tpu.memory_space<vmem>>) offsets(%dma_start3A : memref<80xi32, #tpu.memory_space<vmem>>) semaphore(%arg15 : memref<!tpu.dma_semaphore, #tpu.memory_space<semaphore_mem>>)
      } else {
      }
      %dma_wait3A_54 = arith.constant 0 : i32
      %dma_wait3A_55 = arith.constant 0 : i32
      %dma_wait3A_56 = tpu.memref_slice %arg4[%dma_wait3A_54, %dma_wait3A_55] : memref<10240x128xf32, #tpu.memory_space<hbm>> -> memref<80x128xf32, #tpu.memory_space<hbm>>
      %dma_wait3A_57 = arith.constant 0 : i32
      %dma_wait3A_58 = arith.constant 0 : i32
      %dma_wait3A_59 = tpu.memref_slice %arg4[%dma_wait3A_57, %dma_wait3A_58] : memref<10240x128xf32, #tpu.memory_space<hbm>> -> memref<80x128xf32, #tpu.memory_space<hbm>>
      tpu.wait_dma2 semaphore(%arg14 : memref<!tpu.dma_semaphore, #tpu.memory_space<semaphore_mem>>) src(%dma_wait3A_59 : memref<80x128xf32, #tpu.memory_space<hbm>>) dst(%arg11 : memref<80x128xf32, #tpu.memory_space<vmem>>)
      "tpu.region"() ({
        %run_scoped3A_74 = tpu.sem_alloc : memref<!tpu.dma_semaphore, #tpu.memory_space<semaphore_mem>>
        %dma_start3A = arith.constant 0 : i32
        %dma_start3A_75 = tpu.memref_slice %arg10[%mul3A_38, %dma_start3A] : memref<125x80xi32, #tpu.memory_space<vmem>> -> memref<1x80xi32, #tpu.memory_space<vmem>>
        %dma_start3A_76 = tpu.memref_squeeze %dma_start3A_75 : memref<1x80xi32, #tpu.memory_space<vmem>> -> memref<80xi32, #tpu.memory_space<vmem>>
        %dma_start3A_77 = arith.constant 0 : i32
        %dma_start3A_78 = arith.constant 0 : i32
        %dma_start3A_79 = tpu.memref_slice %arg13[%dma_start3A_77, %dma_start3A_78] : memref<10240x128xf32, #tpu.memory_space<vmem_shared>> -> memref<10240x128xf32, #tpu.memory_space<vmem_shared>>
        tpu.enqueue_indirect_dma source(%arg11 : memref<80x128xf32, #tpu.memory_space<vmem>>) target(%dma_start3A_79 : memref<10240x128xf32, #tpu.memory_space<vmem_shared>>) offsets(%dma_start3A_76 : memref<80xi32, #tpu.memory_space<vmem>>) semaphore(%run_scoped3A_74 : memref<!tpu.dma_semaphore, #tpu.memory_space<semaphore_mem>>) {add = true}
        %dma_wait3A_80 = arith.constant 0 : i32
        %dma_wait3A_81 = tpu.memref_slice %arg10[%mul3A_38, %dma_wait3A_80] : memref<125x80xi32, #tpu.memory_space<vmem>> -> memref<1x80xi32, #tpu.memory_space<vmem>>
        %dma_wait3A_82 = tpu.memref_squeeze %dma_wait3A_81 : memref<1x80xi32, #tpu.memory_space<vmem>> -> memref<80xi32, #tpu.memory_space<vmem>>
        %dma_wait3A_83 = arith.constant 0 : i32
        %dma_wait3A_84 = arith.constant 0 : i32
        %dma_wait3A_85 = tpu.memref_slice %arg13[%dma_wait3A_83, %dma_wait3A_84] : memref<10240x128xf32, #tpu.memory_space<vmem_shared>> -> memref<10240x128xf32, #tpu.memory_space<vmem_shared>>
        tpu.wait_indirect_dma semaphore(%run_scoped3A_74 : memref<!tpu.dma_semaphore, #tpu.memory_space<semaphore_mem>>) src(%arg11 : memref<80x128xf32, #tpu.memory_space<vmem>>) dst(%dma_wait3A_85 : memref<10240x128xf32, #tpu.memory_space<vmem_shared>>)
        tpu.yield
      }) : () -> ()
      %add3A_60 = arith.constant 2 : i32
      %add3A_61 = arith.addi %mul3A_38, %add3A_60 : i32
      %lt3A = arith.constant 125 : i32
      %lt3A_62 = arith.cmpi slt, %add3A_61, %lt3A : i32
      %convert_element_type3A_63 = arith.extui %lt3A_62 : i1 to i32
      %cond3A_64 = arith.constant 0 : i32
      %cond3A_65 = arith.cmpi ne, %convert_element_type3A_63, %cond3A_64 : i32
      scf.if %cond3A_65 {
        %add3A_74 = arith.constant 2 : i32
        %add3A_75 = arith.addi %mul3A_38, %add3A_74 : i32
        %mul3A_76 = arith.constant 80 : i32
        %mul3A_77 = arith.muli %add3A_75, %mul3A_76 : i32
        %multiple_of3A_78 = tpu.assume_multiple %mul3A_77, 8 : i32
        %eq3A_79 = arith.constant 0 : i32
        %eq3A_80 = arith.cmpi eq, %arg0, %eq3A_79 : i32
        %convert_element_type3A_81 = arith.extui %eq3A_80 : i1 to i32
        %cond3A_82 = arith.constant 0 : i32
        %cond3A_83 = arith.cmpi ne, %convert_element_type3A_81, %cond3A_82 : i32
        scf.if %cond3A_83 {
          %dma_start3A = tpu.memref_slice %arg9[%multiple_of3A_78] : memref<10000xi32, #tpu.memory_space<vmem>> -> memref<80xi32, #tpu.memory_space<vmem>>
          %dma_start3A_89 = arith.constant 0 : i32
          %dma_start3A_90 = arith.constant 0 : i32
          %dma_start3A_91 = tpu.memref_slice %arg4[%dma_start3A_89, %dma_start3A_90] : memref<10240x128xf32, #tpu.memory_space<hbm>> -> memref<10240x128xf32, #tpu.memory_space<hbm>>
          tpu.enqueue_indirect_dma source(%dma_start3A_91 : memref<10240x128xf32, #tpu.memory_space<hbm>>) target(%arg11 : memref<80x128xf32, #tpu.memory_space<vmem>>) offsets(%dma_start3A : memref<80xi32, #tpu.memory_space<vmem>>) semaphore(%arg14 : memref<!tpu.dma_semaphore, #tpu.memory_space<semaphore_mem>>)
        } else {
        }
        %eq3A_84 = arith.constant 1 : i32
        %eq3A_85 = arith.cmpi eq, %arg0, %eq3A_84 : i32
        %convert_element_type3A_86 = arith.extui %eq3A_85 : i1 to i32
        %cond3A_87 = arith.constant 0 : i32
        %cond3A_88 = arith.cmpi ne, %convert_element_type3A_86, %cond3A_87 : i32
        scf.if %cond3A_88 {
          %dma_start3A = tpu.memref_slice %arg9[%multiple_of3A_78] : memref<10000xi32, #tpu.memory_space<vmem>> -> memref<80xi32, #tpu.memory_space<vmem>>
          %dma_start3A_89 = arith.constant 0 : i32
          %dma_start3A_90 = arith.constant 0 : i32
          %dma_start3A_91 = tpu.memref_slice %arg5[%dma_start3A_89, %dma_start3A_90] : memref<10240x128xf32, #tpu.memory_space<hbm>> -> memref<10240x128xf32, #tpu.memory_space<hbm>>
          tpu.enqueue_indirect_dma source(%dma_start3A_91 : memref<10240x128xf32, #tpu.memory_space<hbm>>) target(%arg11 : memref<80x128xf32, #tpu.memory_space<vmem>>) offsets(%dma_start3A : memref<80xi32, #tpu.memory_space<vmem>>) semaphore(%arg14 : memref<!tpu.dma_semaphore, #tpu.memory_space<semaphore_mem>>)
        } else {
        }
      } else {
      }
      %dma_wait3A_66 = arith.constant 0 : i32
      %dma_wait3A_67 = arith.constant 0 : i32
      %dma_wait3A_68 = tpu.memref_slice %arg4[%dma_wait3A_66, %dma_wait3A_67] : memref<10240x128xf32, #tpu.memory_space<hbm>> -> memref<80x128xf32, #tpu.memory_space<hbm>>
      %dma_wait3A_69 = arith.constant 0 : i32
      %dma_wait3A_70 = arith.constant 0 : i32
      %dma_wait3A_71 = tpu.memref_slice %arg4[%dma_wait3A_69, %dma_wait3A_70] : memref<10240x128xf32, #tpu.memory_space<hbm>> -> memref<80x128xf32, #tpu.memory_space<hbm>>
      tpu.wait_dma2 semaphore(%arg15 : memref<!tpu.dma_semaphore, #tpu.memory_space<semaphore_mem>>) src(%dma_wait3A_71 : memref<80x128xf32, #tpu.memory_space<hbm>>) dst(%arg12 : memref<80x128xf32, #tpu.memory_space<vmem>>)
      %add3A_72 = arith.constant 1 : i32
      %add3A_73 = arith.addi %mul3A_38, %add3A_72 : i32
      "tpu.region"() ({
        %run_scoped3A_74 = tpu.sem_alloc : memref<!tpu.dma_semaphore, #tpu.memory_space<semaphore_mem>>
        %dma_start3A = arith.constant 0 : i32
        %dma_start3A_75 = tpu.memref_slice %arg10[%add3A_73, %dma_start3A] : memref<125x80xi32, #tpu.memory_space<vmem>> -> memref<1x80xi32, #tpu.memory_space<vmem>>
        %dma_start3A_76 = tpu.memref_squeeze %dma_start3A_75 : memref<1x80xi32, #tpu.memory_space<vmem>> -> memref<80xi32, #tpu.memory_space<vmem>>
        %dma_start3A_77 = arith.constant 0 : i32
        %dma_start3A_78 = arith.constant 0 : i32
        %dma_start3A_79 = tpu.memref_slice %arg13[%dma_start3A_77, %dma_start3A_78] : memref<10240x128xf32, #tpu.memory_space<vmem_shared>> -> memref<10240x128xf32, #tpu.memory_space<vmem_shared>>
        tpu.enqueue_indirect_dma source(%arg12 : memref<80x128xf32, #tpu.memory_space<vmem>>) target(%dma_start3A_79 : memref<10240x128xf32, #tpu.memory_space<vmem_shared>>) offsets(%dma_start3A_76 : memref<80xi32, #tpu.memory_space<vmem>>) semaphore(%run_scoped3A_74 : memref<!tpu.dma_semaphore, #tpu.memory_space<semaphore_mem>>) {add = true}
        %dma_wait3A_80 = arith.constant 0 : i32
        %dma_wait3A_81 = tpu.memref_slice %arg10[%add3A_73, %dma_wait3A_80] : memref<125x80xi32, #tpu.memory_space<vmem>> -> memref<1x80xi32, #tpu.memory_space<vmem>>
        %dma_wait3A_82 = tpu.memref_squeeze %dma_wait3A_81 : memref<1x80xi32, #tpu.memory_space<vmem>> -> memref<80xi32, #tpu.memory_space<vmem>>
        %dma_wait3A_83 = arith.constant 0 : i32
        %dma_wait3A_84 = arith.constant 0 : i32
        %dma_wait3A_85 = tpu.memref_slice %arg13[%dma_wait3A_83, %dma_wait3A_84] : memref<10240x128xf32, #tpu.memory_space<vmem_shared>> -> memref<10240x128xf32, #tpu.memory_space<vmem_shared>>
        tpu.wait_indirect_dma semaphore(%run_scoped3A_74 : memref<!tpu.dma_semaphore, #tpu.memory_space<semaphore_mem>>) src(%arg12 : memref<80x128xf32, #tpu.memory_space<vmem>>) dst(%dma_wait3A_85 : memref<10240x128xf32, #tpu.memory_space<vmem_shared>>)
        tpu.yield
      }) : () -> ()
    }
    %scan3A_14 = arith.constant 62 : i32
    %dma_wait3A = arith.constant 0 : i32
    %dma_wait3A_15 = arith.constant 0 : i32
    %dma_wait3A_16 = tpu.memref_slice %arg4[%dma_wait3A, %dma_wait3A_15] : memref<10240x128xf32, #tpu.memory_space<hbm>> -> memref<80x128xf32, #tpu.memory_space<hbm>>
    %dma_wait3A_17 = arith.constant 0 : i32
    %dma_wait3A_18 = arith.constant 0 : i32
    %dma_wait3A_19 = tpu.memref_slice %arg4[%dma_wait3A_17, %dma_wait3A_18] : memref<10240x128xf32, #tpu.memory_space<hbm>> -> memref<80x128xf32, #tpu.memory_space<hbm>>
    tpu.wait_dma2 semaphore(%arg14 : memref<!tpu.dma_semaphore, #tpu.memory_space<semaphore_mem>>) src(%dma_wait3A_19 : memref<80x128xf32, #tpu.memory_space<hbm>>) dst(%arg11 : memref<80x128xf32, #tpu.memory_space<vmem>>)
    %run_scoped3A = arith.constant 124 : i32
    "tpu.region"() ({
      %run_scoped3A_33 = tpu.sem_alloc : memref<!tpu.dma_semaphore, #tpu.memory_space<semaphore_mem>>
      %dma_start3A = arith.constant 0 : i32
      %dma_start3A_34 = tpu.memref_slice %arg10[%run_scoped3A, %dma_start3A] : memref<125x80xi32, #tpu.memory_space<vmem>> -> memref<1x80xi32, #tpu.memory_space<vmem>>
      %dma_start3A_35 = tpu.memref_squeeze %dma_start3A_34 : memref<1x80xi32, #tpu.memory_space<vmem>> -> memref<80xi32, #tpu.memory_space<vmem>>
      %dma_start3A_36 = arith.constant 0 : i32
      %dma_start3A_37 = arith.constant 0 : i32
      %dma_start3A_38 = tpu.memref_slice %arg13[%dma_start3A_36, %dma_start3A_37] : memref<10240x128xf32, #tpu.memory_space<vmem_shared>> -> memref<10240x128xf32, #tpu.memory_space<vmem_shared>>
      tpu.enqueue_indirect_dma source(%arg11 : memref<80x128xf32, #tpu.memory_space<vmem>>) target(%dma_start3A_38 : memref<10240x128xf32, #tpu.memory_space<vmem_shared>>) offsets(%dma_start3A_35 : memref<80xi32, #tpu.memory_space<vmem>>) semaphore(%run_scoped3A_33 : memref<!tpu.dma_semaphore, #tpu.memory_space<semaphore_mem>>) {add = true}
      %dma_wait3A_39 = arith.constant 0 : i32
      %dma_wait3A_40 = tpu.memref_slice %arg10[%run_scoped3A, %dma_wait3A_39] : memref<125x80xi32, #tpu.memory_space<vmem>> -> memref<1x80xi32, #tpu.memory_space<vmem>>
      %dma_wait3A_41 = tpu.memref_squeeze %dma_wait3A_40 : memref<1x80xi32, #tpu.memory_space<vmem>> -> memref<80xi32, #tpu.memory_space<vmem>>
      %dma_wait3A_42 = arith.constant 0 : i32
      %dma_wait3A_43 = arith.constant 0 : i32
      %dma_wait3A_44 = tpu.memref_slice %arg13[%dma_wait3A_42, %dma_wait3A_43] : memref<10240x128xf32, #tpu.memory_space<vmem_shared>> -> memref<10240x128xf32, #tpu.memory_space<vmem_shared>>
      tpu.wait_indirect_dma semaphore(%run_scoped3A_33 : memref<!tpu.dma_semaphore, #tpu.memory_space<semaphore_mem>>) src(%arg11 : memref<80x128xf32, #tpu.memory_space<vmem>>) dst(%dma_wait3A_44 : memref<10240x128xf32, #tpu.memory_space<vmem_shared>>)
      tpu.yield
    }) : () -> ()
    %barrier3A_20 = arith.constant 0 : index
    tpu.barrier barrier_id(%barrier3A_20)
    %mul3A_21 = arith.constant 640 : i32
    %mul3A_22 = arith.muli %arg1, %mul3A_21 : i32
    %eq3A_23 = arith.constant 0 : i32
    %eq3A_24 = arith.cmpi eq, %arg0, %eq3A_23 : i32
    %convert_element_type3A_25 = arith.extui %eq3A_24 : i1 to i32
    %cond3A_26 = arith.constant 0 : i32
    %cond3A_27 = arith.cmpi ne, %convert_element_type3A_25, %cond3A_26 : i32
    scf.if %cond3A_27 {
      "tpu.region"() ({
        %run_scoped3A_33 = tpu.sem_alloc : memref<!tpu.dma_semaphore, #tpu.memory_space<semaphore_mem>>
        %dma_start3A = arith.constant 0 : i32
        %dma_start3A_34 = tpu.memref_slice %arg7[%mul3A_22, %dma_start3A] : memref<10240x128xf32, #tpu.memory_space<hbm>> -> memref<640x128xf32, #tpu.memory_space<hbm>>
        %dma_start3A_35 = arith.constant 0 : i32
        %dma_start3A_36 = tpu.memref_slice %arg13[%mul3A_22, %dma_start3A_35] : memref<10240x128xf32, #tpu.memory_space<vmem_shared>> -> memref<640x128xf32, #tpu.memory_space<vmem_shared>>
        tpu.enqueue_dma source(%dma_start3A_36 : memref<640x128xf32, #tpu.memory_space<vmem_shared>>) target(%dma_start3A_34 : memref<640x128xf32, #tpu.memory_space<hbm>>) target_semaphore(%run_scoped3A_33 : memref<!tpu.dma_semaphore, #tpu.memory_space<semaphore_mem>>)
        %dma_wait3A_37 = arith.constant 0 : i32
        %dma_wait3A_38 = tpu.memref_slice %arg7[%mul3A_22, %dma_wait3A_37] : memref<10240x128xf32, #tpu.memory_space<hbm>> -> memref<640x128xf32, #tpu.memory_space<hbm>>
        %dma_wait3A_39 = arith.constant 0 : i32
        %dma_wait3A_40 = tpu.memref_slice %arg13[%mul3A_22, %dma_wait3A_39] : memref<10240x128xf32, #tpu.memory_space<vmem_shared>> -> memref<640x128xf32, #tpu.memory_space<vmem_shared>>
        tpu.wait_dma2 semaphore(%run_scoped3A_33 : memref<!tpu.dma_semaphore, #tpu.memory_space<semaphore_mem>>) src(%dma_wait3A_40 : memref<640x128xf32, #tpu.memory_space<vmem_shared>>) dst(%dma_wait3A_38 : memref<640x128xf32, #tpu.memory_space<hbm>>)
        tpu.yield
      }) : () -> ()
    } else {
    }
    %eq3A_28 = arith.constant 1 : i32
    %eq3A_29 = arith.cmpi eq, %arg0, %eq3A_28 : i32
    %convert_element_type3A_30 = arith.extui %eq3A_29 : i1 to i32
    %cond3A_31 = arith.constant 0 : i32
    %cond3A_32 = arith.cmpi ne, %convert_element_type3A_30, %cond3A_31 : i32
    scf.if %cond3A_32 {
      "tpu.region"() ({
        %run_scoped3A_33 = tpu.sem_alloc : memref<!tpu.dma_semaphore, #tpu.memory_space<semaphore_mem>>
        %dma_start3A = arith.constant 0 : i32
        %dma_start3A_34 = tpu.memref_slice %arg8[%mul3A_22, %dma_start3A] : memref<10240x128xf32, #tpu.memory_space<hbm>> -> memref<640x128xf32, #tpu.memory_space<hbm>>
        %dma_start3A_35 = arith.constant 0 : i32
        %dma_start3A_36 = tpu.memref_slice %arg13[%mul3A_22, %dma_start3A_35] : memref<10240x128xf32, #tpu.memory_space<vmem_shared>> -> memref<640x128xf32, #tpu.memory_space<vmem_shared>>
        tpu.enqueue_dma source(%dma_start3A_36 : memref<640x128xf32, #tpu.memory_space<vmem_shared>>) target(%dma_start3A_34 : memref<640x128xf32, #tpu.memory_space<hbm>>) target_semaphore(%run_scoped3A_33 : memref<!tpu.dma_semaphore, #tpu.memory_space<semaphore_mem>>)
        %dma_wait3A_37 = arith.constant 0 : i32
        %dma_wait3A_38 = tpu.memref_slice %arg8[%mul3A_22, %dma_wait3A_37] : memref<10240x128xf32, #tpu.memory_space<hbm>> -> memref<640x128xf32, #tpu.memory_space<hbm>>
        %dma_wait3A_39 = arith.constant 0 : i32
        %dma_wait3A_40 = tpu.memref_slice %arg13[%mul3A_22, %dma_wait3A_39] : memref<10240x128xf32, #tpu.memory_space<vmem_shared>> -> memref<640x128xf32, #tpu.memory_space<vmem_shared>>
        tpu.wait_dma2 semaphore(%run_scoped3A_33 : memref<!tpu.dma_semaphore, #tpu.memory_space<semaphore_mem>>) src(%dma_wait3A_40 : memref<640x128xf32, #tpu.memory_space<vmem_shared>>) dst(%dma_wait3A_38 : memref<640x128xf32, #tpu.memory_space<hbm>>)
        tpu.yield
      }) : () -> ()
    } else {
    }
    return
  }
}

#map = affine_map<(d0, d1) -> (0)>
#map1 = affine_map<(d0, d1) -> (0, 0)>
module attributes {stable_mosaic.version = 14 : i64} {
  func.func @_deg_body(%arg0: i32, %arg1: i32, %arg2: memref<160000xi32, #tpu.memory_space<hbm>>, %arg3: memref<32x10240xf32, #tpu.memory_space<hbm>>, %arg4: memref<5016xi32, #tpu.memory_space<vmem>>, %arg5: memref<10240xf32, #tpu.memory_space<vmem>>) attributes {dimension_semantics = [#tpu.dimension_semantics<core_parallel>, #tpu.dimension_semantics<subcore_parallel>], iteration_bounds = array<i64: 2, 16>, scalar_prefetch = 0 : i64, scratch_operands = 2 : i64, tpu.core_type = #tpu.core_type<sc_vector_subcore>, window_params = [{transform_indices = #map}, {transform_indices = #map1}]} {
    %mul3A = arith.constant 2 : i32
    %mul3A_0 = arith.muli %arg1, %mul3A : i32
    %add3A = arith.addi %mul3A_0, %arg0 : i32
    %broadcast_in_dim3A = arith.constant 0.000000e+00 : f32
    %broadcast_in_dim3A_1 = vector.broadcast %broadcast_in_dim3A : f32 to vector<16xf32>
    %scan3A = arith.constant 0 : i32
    %scan3A_2 = arith.constant 640 : i32
    %scan3A_3 = arith.addi %scan3A, %scan3A_2 : i32
    %scan3A_4 = arith.constant 1 : i32
    scf.for %scan3A_21 = %scan3A to %scan3A_3 step %scan3A_4  : i32 {
      %mul3A_22 = arith.constant 1 : i32
      %mul3A_23 = arith.muli %scan3A_21, %mul3A_22 : i32
      %add3A_24 = arith.constant 0 : i32
      %add3A_25 = arith.addi %add3A_24, %mul3A_23 : i32
      %mul3A_26 = arith.constant 16 : i32
      %mul3A_27 = arith.muli %add3A_25, %mul3A_26 : i32
      %swap3A_28 = arith.index_cast %mul3A_27 : i32 to index
      %swap3A_29 = tpu.vector_load %arg5[%swap3A_28] {strides = array<i32>} : memref<10240xf32, #tpu.memory_space<vmem>>, vector<16xf32>,
      tpu.vector_store %arg5[%swap3A_28], %broadcast_in_dim3A_1 {strides = array<i32>} : memref<10240xf32, #tpu.memory_space<vmem>>, vector<16xf32>,
    }
    %scan3A_5 = arith.constant 640 : i32
    %broadcast_in_dim3A_6 = arith.constant 0 : i32
    %broadcast_in_dim3A_7 = vector.broadcast %broadcast_in_dim3A_6 : i32 to vector<16xi32>
    %swap3A = arith.constant 4992 : index
    %swap3A_8 = tpu.vector_load %arg4[%swap3A] {strides = array<i32>} : memref<5016xi32, #tpu.memory_space<vmem>>, vector<16xi32>,
    tpu.vector_store %arg4[%swap3A], %broadcast_in_dim3A_7 {strides = array<i32>} : memref<5016xi32, #tpu.memory_space<vmem>>, vector<16xi32>,
    %mul3A_9 = arith.constant 5000 : i32
    %mul3A_10 = arith.muli %add3A, %mul3A_9 : i32
    %multiple_of3A = tpu.assume_multiple %mul3A_10, 8 : i32
    "tpu.region"() ({
      %run_scoped3A = tpu.sem_alloc : memref<!tpu.dma_semaphore, #tpu.memory_space<semaphore_mem>>
      %dma_start3A = arith.constant 0 : i32
      %dma_start3A_21 = tpu.memref_slice %arg4[%dma_start3A] : memref<5016xi32, #tpu.memory_space<vmem>> -> memref<5000xi32, #tpu.memory_space<vmem>>
      %dma_start3A_22 = tpu.memref_slice %arg2[%multiple_of3A] : memref<160000xi32, #tpu.memory_space<hbm>> -> memref<5000xi32, #tpu.memory_space<hbm>>
      %dma_start3A_23 = arith.constant 0 : i32
      %dma_start3A_24 = tpu.memref_slice %arg4[%dma_start3A_23] : memref<5016xi32, #tpu.memory_space<vmem>> -> memref<5000xi32, #tpu.memory_space<vmem>>
      %dma_start3A_25 = tpu.memref_slice %arg2[%multiple_of3A] : memref<160000xi32, #tpu.memory_space<hbm>> -> memref<5000xi32, #tpu.memory_space<hbm>>
      tpu.enqueue_dma source(%dma_start3A_25 : memref<5000xi32, #tpu.memory_space<hbm>>) target(%dma_start3A_24 : memref<5000xi32, #tpu.memory_space<vmem>>) target_semaphore(%run_scoped3A : memref<!tpu.dma_semaphore, #tpu.memory_space<semaphore_mem>>)
      %dma_wait3A = arith.constant 0 : i32
      %dma_wait3A_26 = tpu.memref_slice %arg4[%dma_wait3A] : memref<5016xi32, #tpu.memory_space<vmem>> -> memref<5000xi32, #tpu.memory_space<vmem>>
      %dma_wait3A_27 = tpu.memref_slice %arg2[%multiple_of3A] : memref<160000xi32, #tpu.memory_space<hbm>> -> memref<5000xi32, #tpu.memory_space<hbm>>
      %dma_wait3A_28 = arith.constant 0 : i32
      %dma_wait3A_29 = tpu.memref_slice %arg4[%dma_wait3A_28] : memref<5016xi32, #tpu.memory_space<vmem>> -> memref<5000xi32, #tpu.memory_space<vmem>>
      %dma_wait3A_30 = tpu.memref_slice %arg2[%multiple_of3A] : memref<160000xi32, #tpu.memory_space<hbm>> -> memref<5000xi32, #tpu.memory_space<hbm>>
      tpu.wait_dma2 semaphore(%run_scoped3A : memref<!tpu.dma_semaphore, #tpu.memory_space<semaphore_mem>>) src(%dma_wait3A_30 : memref<5000xi32, #tpu.memory_space<hbm>>) dst(%dma_wait3A_29 : memref<5000xi32, #tpu.memory_space<vmem>>)
      tpu.yield
    }) : () -> ()
    %broadcast_in_dim3A_11 = arith.constant 1.000000e+00 : f32
    %broadcast_in_dim3A_12 = vector.broadcast %broadcast_in_dim3A_11 : f32 to vector<16xf32>
    %scan3A_13 = arith.constant 0 : i32
    %scan3A_14 = arith.constant 312 : i32
    %scan3A_15 = arith.addi %scan3A_13, %scan3A_14 : i32
    %scan3A_16 = arith.constant 1 : i32
    scf.for %scan3A_21 = %scan3A_13 to %scan3A_15 step %scan3A_16  : i32 {
      %mul3A_22 = arith.constant 1 : i32
      %mul3A_23 = arith.muli %scan3A_21, %mul3A_22 : i32
      %add3A_24 = arith.constant 0 : i32
      %add3A_25 = arith.addi %add3A_24, %mul3A_23 : i32
      %mul3A_26 = arith.constant 16 : i32
      %mul3A_27 = arith.muli %add3A_25, %mul3A_26 : i32
      %get3A_28 = arith.index_cast %mul3A_27 : i32 to index
      %get3A_29 = tpu.vector_load %arg4[%get3A_28] {strides = array<i32>} : memref<5016xi32, #tpu.memory_space<vmem>>, vector<16xi32>,
      tpu.vector_store_idx %arg5[%get3A_29], %broadcast_in_dim3A_12 {add = true} : memref<10240xf32, #tpu.memory_space<vmem>>[vector<16xi32>], vector<16xf32>,
    }
    %scan3A_17 = arith.constant 312 : i32
    %get3A = arith.constant 4992 : index
    %get3A_18 = tpu.vector_load %arg4[%get3A] {strides = array<i32>} : memref<5016xi32, #tpu.memory_space<vmem>>, vector<16xi32>,
    %iota3A = tpu.iota {dimensions = array<i32: 0>} : vector<16xi32>
    %lt3A = arith.constant 8 : i32
    %lt3A_19 = vector.broadcast %lt3A : i32 to vector<16xi32>
    %lt3A_20 = arith.cmpi slt, %iota3A, %lt3A_19 : vector<16xi32>
    tpu.vector_store_idx %arg5[%get3A_18], %broadcast_in_dim3A_12 masked %lt3A_20 {add = true} : memref<10240xf32, #tpu.memory_space<vmem>>[vector<16xi32>], vector<16xf32>, vector<16xi1>
    "tpu.region"() ({
      %run_scoped3A = tpu.sem_alloc : memref<!tpu.dma_semaphore, #tpu.memory_space<semaphore_mem>>
      %dma_start3A = arith.constant 0 : i32
      %dma_start3A_21 = tpu.memref_slice %arg3[%add3A, %dma_start3A] : memref<32x10240xf32, #tpu.memory_space<hbm>> -> memref<1x10240xf32, #tpu.memory_space<hbm>>
      %dma_start3A_22 = tpu.memref_squeeze %dma_start3A_21 : memref<1x10240xf32, #tpu.memory_space<hbm>> -> memref<10240xf32, #tpu.memory_space<hbm>>
      %dma_start3A_23 = arith.constant 0 : i32
      %dma_start3A_24 = tpu.memref_slice %arg3[%add3A, %dma_start3A_23] : memref<32x10240xf32, #tpu.memory_space<hbm>> -> memref<1x10240xf32, #tpu.memory_space<hbm>>
      %dma_start3A_25 = tpu.memref_squeeze %dma_start3A_24 : memref<1x10240xf32, #tpu.memory_space<hbm>> -> memref<10240xf32, #tpu.memory_space<hbm>>
      tpu.enqueue_dma source(%arg5 : memref<10240xf32, #tpu.memory_space<vmem>>) target(%dma_start3A_25 : memref<10240xf32, #tpu.memory_space<hbm>>) target_semaphore(%run_scoped3A : memref<!tpu.dma_semaphore, #tpu.memory_space<semaphore_mem>>)
      %dma_wait3A = arith.constant 0 : i32
      %dma_wait3A_26 = tpu.memref_slice %arg3[%add3A, %dma_wait3A] : memref<32x10240xf32, #tpu.memory_space<hbm>> -> memref<1x10240xf32, #tpu.memory_space<hbm>>
      %dma_wait3A_27 = tpu.memref_squeeze %dma_wait3A_26 : memref<1x10240xf32, #tpu.memory_space<hbm>> -> memref<10240xf32, #tpu.memory_space<hbm>>
      %dma_wait3A_28 = arith.constant 0 : i32
      %dma_wait3A_29 = tpu.memref_slice %arg3[%add3A, %dma_wait3A_28] : memref<32x10240xf32, #tpu.memory_space<hbm>> -> memref<1x10240xf32, #tpu.memory_space<hbm>>
      %dma_wait3A_30 = tpu.memref_squeeze %dma_wait3A_29 : memref<1x10240xf32, #tpu.memory_space<hbm>> -> memref<10240xf32, #tpu.memory_space<hbm>>
      tpu.wait_dma2 semaphore(%run_scoped3A : memref<!tpu.dma_semaphore, #tpu.memory_space<semaphore_mem>>) src(%arg5 : memref<10240xf32, #tpu.memory_space<vmem>>) dst(%dma_wait3A_30 : memref<10240xf32, #tpu.memory_space<hbm>>)
      tpu.yield
    }) : () -> ()
    return
  }
}

#map = affine_map<(d0, d1) -> (0)>
#map1 = affine_map<(d0, d1) -> (0, 0, 0)>
#map2 = affine_map<(d0, d1) -> (0, 0)>
module attributes {stable_mosaic.version = 14 : i64} {
  func.func @_agg_body(%arg0: i32, %arg1: i32, %arg2: memref<160000xi32, #tpu.memory_space<hbm>>, %arg3: memref<16x125x80xi32, #tpu.memory_space<hbm>>, %arg4: memref<10240x128xf32, #tpu.memory_space<hbm>>, %arg5: memref<10240x128xf32, #tpu.memory_space<hbm>>, %arg6: memref<640x128xf32, #tpu.memory_space<hbm>>, %arg7: memref<10240x128xf32, #tpu.memory_space<hbm>>, %arg8: memref<10240x128xf32, #tpu.memory_space<hbm>>, %arg9: memref<10000xi32, #tpu.memory_space<vmem>>, %arg10: memref<125x80xi32, #tpu.memory_space<vmem>>, %arg11: memref<80x128xf32, #tpu.memory_space<vmem>>, %arg12: memref<80x128xf32, #tpu.memory_space<vmem>>, %arg13: memref<10240x128xf32, #tpu.memory_space<vmem_shared>>, %arg14: memref<!tpu.dma_semaphore, #tpu.memory_space<semaphore_mem>>, %arg15: memref<!tpu.dma_semaphore, #tpu.memory_space<semaphore_mem>>) attributes {dimension_semantics = [#tpu.dimension_semantics<core_parallel>, #tpu.dimension_semantics<subcore_parallel>], iteration_bounds = array<i64: 2, 16>, scalar_prefetch = 0 : i64, scratch_operands = 7 : i64, tpu.core_type = #tpu.core_type<sc_vector_subcore>, window_params = [{transform_indices = #map}, {transform_indices = #map1}, {transform_indices = #map2}, {transform_indices = #map2}, {transform_indices = #map2}, {transform_indices = #map2}, {transform_indices = #map2}]} {
    %mul3A = arith.constant 10000 : i32
    %mul3A_0 = arith.muli %arg1, %mul3A : i32
    "tpu.region"() ({
      %run_scoped3A_33 = tpu.sem_alloc : memref<!tpu.dma_semaphore, #tpu.memory_space<semaphore_mem>>
      %dma_start3A = tpu.memref_slice %arg2[%mul3A_0] : memref<160000xi32, #tpu.memory_space<hbm>> -> memref<10000xi32, #tpu.memory_space<hbm>>
      %dma_start3A_34 = tpu.memref_slice %arg2[%mul3A_0] : memref<160000xi32, #tpu.memory_space<hbm>> -> memref<10000xi32, #tpu.memory_space<hbm>>
      tpu.enqueue_dma source(%dma_start3A_34 : memref<10000xi32, #tpu.memory_space<hbm>>) target(%arg9 : memref<10000xi32, #tpu.memory_space<vmem>>) target_semaphore(%run_scoped3A_33 : memref<!tpu.dma_semaphore, #tpu.memory_space<semaphore_mem>>)
      %dma_wait3A_35 = tpu.memref_slice %arg2[%mul3A_0] : memref<160000xi32, #tpu.memory_space<hbm>> -> memref<10000xi32, #tpu.memory_space<hbm>>
      %dma_wait3A_36 = tpu.memref_slice %arg2[%mul3A_0] : memref<160000xi32, #tpu.memory_space<hbm>> -> memref<10000xi32, #tpu.memory_space<hbm>>
      tpu.wait_dma2 semaphore(%run_scoped3A_33 : memref<!tpu.dma_semaphore, #tpu.memory_space<semaphore_mem>>) src(%dma_wait3A_36 : memref<10000xi32, #tpu.memory_space<hbm>>) dst(%arg9 : memref<10000xi32, #tpu.memory_space<vmem>>)
      tpu.yield
    }) : () -> ()
    "tpu.region"() ({
      %run_scoped3A_33 = tpu.sem_alloc : memref<!tpu.dma_semaphore, #tpu.memory_space<semaphore_mem>>
      %dma_start3A = arith.constant 0 : i32
      %dma_start3A_34 = arith.constant 0 : i32
      %dma_start3A_35 = tpu.memref_slice %arg3[%arg1, %dma_start3A, %dma_start3A_34] : memref<16x125x80xi32, #tpu.memory_space<hbm>> -> memref<1x125x80xi32, #tpu.memory_space<hbm>>
      %dma_start3A_36 = tpu.memref_squeeze %dma_start3A_35 : memref<1x125x80xi32, #tpu.memory_space<hbm>> -> memref<125x80xi32, #tpu.memory_space<hbm>>
      %dma_start3A_37 = arith.constant 0 : i32
      %dma_start3A_38 = arith.constant 0 : i32
      %dma_start3A_39 = tpu.memref_slice %arg3[%arg1, %dma_start3A_37, %dma_start3A_38] : memref<16x125x80xi32, #tpu.memory_space<hbm>> -> memref<1x125x80xi32, #tpu.memory_space<hbm>>
      %dma_start3A_40 = tpu.memref_squeeze %dma_start3A_39 : memref<1x125x80xi32, #tpu.memory_space<hbm>> -> memref<125x80xi32, #tpu.memory_space<hbm>>
      tpu.enqueue_dma source(%dma_start3A_40 : memref<125x80xi32, #tpu.memory_space<hbm>>) target(%arg10 : memref<125x80xi32, #tpu.memory_space<vmem>>) target_semaphore(%run_scoped3A_33 : memref<!tpu.dma_semaphore, #tpu.memory_space<semaphore_mem>>)
      %dma_wait3A_41 = arith.constant 0 : i32
      %dma_wait3A_42 = arith.constant 0 : i32
      %dma_wait3A_43 = tpu.memref_slice %arg3[%arg1, %dma_wait3A_41, %dma_wait3A_42] : memref<16x125x80xi32, #tpu.memory_space<hbm>> -> memref<1x125x80xi32, #tpu.memory_space<hbm>>
      %dma_wait3A_44 = tpu.memref_squeeze %dma_wait3A_43 : memref<1x125x80xi32, #tpu.memory_space<hbm>> -> memref<125x80xi32, #tpu.memory_space<hbm>>
      %dma_wait3A_45 = arith.constant 0 : i32
      %dma_wait3A_46 = arith.constant 0 : i32
      %dma_wait3A_47 = tpu.memref_slice %arg3[%arg1, %dma_wait3A_45, %dma_wait3A_46] : memref<16x125x80xi32, #tpu.memory_space<hbm>> -> memref<1x125x80xi32, #tpu.memory_space<hbm>>
      %dma_wait3A_48 = tpu.memref_squeeze %dma_wait3A_47 : memref<1x125x80xi32, #tpu.memory_space<hbm>> -> memref<125x80xi32, #tpu.memory_space<hbm>>
      tpu.wait_dma2 semaphore(%run_scoped3A_33 : memref<!tpu.dma_semaphore, #tpu.memory_space<semaphore_mem>>) src(%dma_wait3A_48 : memref<125x80xi32, #tpu.memory_space<hbm>>) dst(%arg10 : memref<125x80xi32, #tpu.memory_space<vmem>>)
      tpu.yield
    }) : () -> ()
    %mul3A_1 = arith.constant 640 : i32
    %mul3A_2 = arith.muli %arg1, %mul3A_1 : i32
    "tpu.region"() ({
      %run_scoped3A_33 = tpu.sem_alloc : memref<!tpu.dma_semaphore, #tpu.memory_space<semaphore_mem>>
      %dma_start3A = arith.constant 0 : i32
      %dma_start3A_34 = tpu.memref_slice %arg13[%mul3A_2, %dma_start3A] : memref<10240x128xf32, #tpu.memory_space<vmem_shared>> -> memref<640x128xf32, #tpu.memory_space<vmem_shared>>
      tpu.enqueue_dma source(%arg6 : memref<640x128xf32, #tpu.memory_space<hbm>>) target(%dma_start3A_34 : memref<640x128xf32, #tpu.memory_space<vmem_shared>>) target_semaphore(%run_scoped3A_33 : memref<!tpu.dma_semaphore, #tpu.memory_space<semaphore_mem>>)
      %dma_wait3A_35 = arith.constant 0 : i32
      %dma_wait3A_36 = tpu.memref_slice %arg13[%mul3A_2, %dma_wait3A_35] : memref<10240x128xf32, #tpu.memory_space<vmem_shared>> -> memref<640x128xf32, #tpu.memory_space<vmem_shared>>
      tpu.wait_dma2 semaphore(%run_scoped3A_33 : memref<!tpu.dma_semaphore, #tpu.memory_space<semaphore_mem>>) src(%arg6 : memref<640x128xf32, #tpu.memory_space<hbm>>) dst(%dma_wait3A_36 : memref<640x128xf32, #tpu.memory_space<vmem_shared>>)
      tpu.yield
    }) : () -> ()
    %barrier3A = arith.constant 0 : index
    tpu.barrier barrier_id(%barrier3A)
    %multiple_of3A = arith.constant 0 : i32
    %multiple_of3A_3 = tpu.assume_multiple %multiple_of3A, 8 : i32
    %eq3A = arith.constant 0 : i32
    %eq3A_4 = arith.cmpi eq, %arg0, %eq3A : i32
    %convert_element_type3A = arith.extui %eq3A_4 : i1 to i32
    %cond3A = arith.constant 0 : i32
    %cond3A_5 = arith.cmpi ne, %convert_element_type3A, %cond3A : i32
    scf.if %cond3A_5 {
      %dma_start3A = tpu.memref_slice %arg9[%multiple_of3A_3] : memref<10000xi32, #tpu.memory_space<vmem>> -> memref<80xi32, #tpu.memory_space<vmem>>
      %dma_start3A_33 = arith.constant 0 : i32
      %dma_start3A_34 = arith.constant 0 : i32
      %dma_start3A_35 = tpu.memref_slice %arg4[%dma_start3A_33, %dma_start3A_34] : memref<10240x128xf32, #tpu.memory_space<hbm>> -> memref<10240x128xf32, #tpu.memory_space<hbm>>
      tpu.enqueue_indirect_dma source(%dma_start3A_35 : memref<10240x128xf32, #tpu.memory_space<hbm>>) target(%arg11 : memref<80x128xf32, #tpu.memory_space<vmem>>) offsets(%dma_start3A : memref<80xi32, #tpu.memory_space<vmem>>) semaphore(%arg14 : memref<!tpu.dma_semaphore, #tpu.memory_space<semaphore_mem>>)
    } else {
    }
    %eq3A_6 = arith.constant 1 : i32
    %eq3A_7 = arith.cmpi eq, %arg0, %eq3A_6 : i32
    %convert_element_type3A_8 = arith.extui %eq3A_7 : i1 to i32
    %cond3A_9 = arith.constant 0 : i32
    %cond3A_10 = arith.cmpi ne, %convert_element_type3A_8, %cond3A_9 : i32
    scf.if %cond3A_10 {
      %dma_start3A = tpu.memref_slice %arg9[%multiple_of3A_3] : memref<10000xi32, #tpu.memory_space<vmem>> -> memref<80xi32, #tpu.memory_space<vmem>>
      %dma_start3A_33 = arith.constant 0 : i32
      %dma_start3A_34 = arith.constant 0 : i32
      %dma_start3A_35 = tpu.memref_slice %arg5[%dma_start3A_33, %dma_start3A_34] : memref<10240x128xf32, #tpu.memory_space<hbm>> -> memref<10240x128xf32, #tpu.memory_space<hbm>>
      tpu.enqueue_indirect_dma source(%dma_start3A_35 : memref<10240x128xf32, #tpu.memory_space<hbm>>) target(%arg11 : memref<80x128xf32, #tpu.memory_space<vmem>>) offsets(%dma_start3A : memref<80xi32, #tpu.memory_space<vmem>>) semaphore(%arg14 : memref<!tpu.dma_semaphore, #tpu.memory_space<semaphore_mem>>)
    } else {
    }
    %scan3A = arith.constant 0 : i32
    %scan3A_11 = arith.constant 62 : i32
    %scan3A_12 = arith.addi %scan3A, %scan3A_11 : i32
    %scan3A_13 = arith.constant 1 : i32
    scf.for %scan3A_33 = %scan3A to %scan3A_12 step %scan3A_13  : i32 {
      %mul3A_34 = arith.constant 1 : i32
      %mul3A_35 = arith.muli %scan3A_33, %mul3A_34 : i32
      %add3A = arith.constant 0 : i32
      %add3A_36 = arith.addi %add3A, %mul3A_35 : i32
      %mul3A_37 = arith.constant 2 : i32
      %mul3A_38 = arith.muli %mul3A_37, %add3A_36 : i32
      %add3A_39 = arith.constant 1 : i32
      %add3A_40 = arith.addi %mul3A_38, %add3A_39 : i32
      %mul3A_41 = arith.constant 80 : i32
      %mul3A_42 = arith.muli %add3A_40, %mul3A_41 : i32
      %multiple_of3A_43 = tpu.assume_multiple %mul3A_42, 8 : i32
      %eq3A_44 = arith.constant 0 : i32
      %eq3A_45 = arith.cmpi eq, %arg0, %eq3A_44 : i32
      %convert_element_type3A_46 = arith.extui %eq3A_45 : i1 to i32
      %cond3A_47 = arith.constant 0 : i32
      %cond3A_48 = arith.cmpi ne, %convert_element_type3A_46, %cond3A_47 : i32
      scf.if %cond3A_48 {
        %dma_start3A = tpu.memref_slice %arg9[%multiple_of3A_43] : memref<10000xi32, #tpu.memory_space<vmem>> -> memref<80xi32, #tpu.memory_space<vmem>>
        %dma_start3A_74 = arith.constant 0 : i32
        %dma_start3A_75 = arith.constant 0 : i32
        %dma_start3A_76 = tpu.memref_slice %arg4[%dma_start3A_74, %dma_start3A_75] : memref<10240x128xf32, #tpu.memory_space<hbm>> -> memref<10240x128xf32, #tpu.memory_space<hbm>>
        tpu.enqueue_indirect_dma source(%dma_start3A_76 : memref<10240x128xf32, #tpu.memory_space<hbm>>) target(%arg12 : memref<80x128xf32, #tpu.memory_space<vmem>>) offsets(%dma_start3A : memref<80xi32, #tpu.memory_space<vmem>>) semaphore(%arg15 : memref<!tpu.dma_semaphore, #tpu.memory_space<semaphore_mem>>)
      } else {
      }
      %eq3A_49 = arith.constant 1 : i32
      %eq3A_50 = arith.cmpi eq, %arg0, %eq3A_49 : i32
      %convert_element_type3A_51 = arith.extui %eq3A_50 : i1 to i32
      %cond3A_52 = arith.constant 0 : i32
      %cond3A_53 = arith.cmpi ne, %convert_element_type3A_51, %cond3A_52 : i32
      scf.if %cond3A_53 {
        %dma_start3A = tpu.memref_slice %arg9[%multiple_of3A_43] : memref<10000xi32, #tpu.memory_space<vmem>> -> memref<80xi32, #tpu.memory_space<vmem>>
        %dma_start3A_74 = arith.constant 0 : i32
        %dma_start3A_75 = arith.constant 0 : i32
        %dma_start3A_76 = tpu.memref_slice %arg5[%dma_start3A_74, %dma_start3A_75] : memref<10240x128xf32, #tpu.memory_space<hbm>> -> memref<10240x128xf32, #tpu.memory_space<hbm>>
        tpu.enqueue_indirect_dma source(%dma_start3A_76 : memref<10240x128xf32, #tpu.memory_space<hbm>>) target(%arg12 : memref<80x128xf32, #tpu.memory_space<vmem>>) offsets(%dma_start3A : memref<80xi32, #tpu.memory_space<vmem>>) semaphore(%arg15 : memref<!tpu.dma_semaphore, #tpu.memory_space<semaphore_mem>>)
      } else {
      }
      %dma_wait3A_54 = arith.constant 0 : i32
      %dma_wait3A_55 = arith.constant 0 : i32
      %dma_wait3A_56 = tpu.memref_slice %arg4[%dma_wait3A_54, %dma_wait3A_55] : memref<10240x128xf32, #tpu.memory_space<hbm>> -> memref<80x128xf32, #tpu.memory_space<hbm>>
      %dma_wait3A_57 = arith.constant 0 : i32
      %dma_wait3A_58 = arith.constant 0 : i32
      %dma_wait3A_59 = tpu.memref_slice %arg4[%dma_wait3A_57, %dma_wait3A_58] : memref<10240x128xf32, #tpu.memory_space<hbm>> -> memref<80x128xf32, #tpu.memory_space<hbm>>
      tpu.wait_dma2 semaphore(%arg14 : memref<!tpu.dma_semaphore, #tpu.memory_space<semaphore_mem>>) src(%dma_wait3A_59 : memref<80x128xf32, #tpu.memory_space<hbm>>) dst(%arg11 : memref<80x128xf32, #tpu.memory_space<vmem>>)
      "tpu.region"() ({
        %run_scoped3A_74 = tpu.sem_alloc : memref<!tpu.dma_semaphore, #tpu.memory_space<semaphore_mem>>
        %dma_start3A = arith.constant 0 : i32
        %dma_start3A_75 = tpu.memref_slice %arg10[%mul3A_38, %dma_start3A] : memref<125x80xi32, #tpu.memory_space<vmem>> -> memref<1x80xi32, #tpu.memory_space<vmem>>
        %dma_start3A_76 = tpu.memref_squeeze %dma_start3A_75 : memref<1x80xi32, #tpu.memory_space<vmem>> -> memref<80xi32, #tpu.memory_space<vmem>>
        %dma_start3A_77 = arith.constant 0 : i32
        %dma_start3A_78 = arith.constant 0 : i32
        %dma_start3A_79 = tpu.memref_slice %arg13[%dma_start3A_77, %dma_start3A_78] : memref<10240x128xf32, #tpu.memory_space<vmem_shared>> -> memref<10240x128xf32, #tpu.memory_space<vmem_shared>>
        tpu.enqueue_indirect_dma source(%arg11 : memref<80x128xf32, #tpu.memory_space<vmem>>) target(%dma_start3A_79 : memref<10240x128xf32, #tpu.memory_space<vmem_shared>>) offsets(%dma_start3A_76 : memref<80xi32, #tpu.memory_space<vmem>>) semaphore(%run_scoped3A_74 : memref<!tpu.dma_semaphore, #tpu.memory_space<semaphore_mem>>) {add = true}
        %dma_wait3A_80 = arith.constant 0 : i32
        %dma_wait3A_81 = tpu.memref_slice %arg10[%mul3A_38, %dma_wait3A_80] : memref<125x80xi32, #tpu.memory_space<vmem>> -> memref<1x80xi32, #tpu.memory_space<vmem>>
        %dma_wait3A_82 = tpu.memref_squeeze %dma_wait3A_81 : memref<1x80xi32, #tpu.memory_space<vmem>> -> memref<80xi32, #tpu.memory_space<vmem>>
        %dma_wait3A_83 = arith.constant 0 : i32
        %dma_wait3A_84 = arith.constant 0 : i32
        %dma_wait3A_85 = tpu.memref_slice %arg13[%dma_wait3A_83, %dma_wait3A_84] : memref<10240x128xf32, #tpu.memory_space<vmem_shared>> -> memref<10240x128xf32, #tpu.memory_space<vmem_shared>>
        tpu.wait_indirect_dma semaphore(%run_scoped3A_74 : memref<!tpu.dma_semaphore, #tpu.memory_space<semaphore_mem>>) src(%arg11 : memref<80x128xf32, #tpu.memory_space<vmem>>) dst(%dma_wait3A_85 : memref<10240x128xf32, #tpu.memory_space<vmem_shared>>)
        tpu.yield
      }) : () -> ()
      %add3A_60 = arith.constant 2 : i32
      %add3A_61 = arith.addi %mul3A_38, %add3A_60 : i32
      %lt3A = arith.constant 125 : i32
      %lt3A_62 = arith.cmpi slt, %add3A_61, %lt3A : i32
      %convert_element_type3A_63 = arith.extui %lt3A_62 : i1 to i32
      %cond3A_64 = arith.constant 0 : i32
      %cond3A_65 = arith.cmpi ne, %convert_element_type3A_63, %cond3A_64 : i32
      scf.if %cond3A_65 {
        %add3A_74 = arith.constant 2 : i32
        %add3A_75 = arith.addi %mul3A_38, %add3A_74 : i32
        %mul3A_76 = arith.constant 80 : i32
        %mul3A_77 = arith.muli %add3A_75, %mul3A_76 : i32
        %multiple_of3A_78 = tpu.assume_multiple %mul3A_77, 8 : i32
        %eq3A_79 = arith.constant 0 : i32
        %eq3A_80 = arith.cmpi eq, %arg0, %eq3A_79 : i32
        %convert_element_type3A_81 = arith.extui %eq3A_80 : i1 to i32
        %cond3A_82 = arith.constant 0 : i32
        %cond3A_83 = arith.cmpi ne, %convert_element_type3A_81, %cond3A_82 : i32
        scf.if %cond3A_83 {
          %dma_start3A = tpu.memref_slice %arg9[%multiple_of3A_78] : memref<10000xi32, #tpu.memory_space<vmem>> -> memref<80xi32, #tpu.memory_space<vmem>>
          %dma_start3A_89 = arith.constant 0 : i32
          %dma_start3A_90 = arith.constant 0 : i32
          %dma_start3A_91 = tpu.memref_slice %arg4[%dma_start3A_89, %dma_start3A_90] : memref<10240x128xf32, #tpu.memory_space<hbm>> -> memref<10240x128xf32, #tpu.memory_space<hbm>>
          tpu.enqueue_indirect_dma source(%dma_start3A_91 : memref<10240x128xf32, #tpu.memory_space<hbm>>) target(%arg11 : memref<80x128xf32, #tpu.memory_space<vmem>>) offsets(%dma_start3A : memref<80xi32, #tpu.memory_space<vmem>>) semaphore(%arg14 : memref<!tpu.dma_semaphore, #tpu.memory_space<semaphore_mem>>)
        } else {
        }
        %eq3A_84 = arith.constant 1 : i32
        %eq3A_85 = arith.cmpi eq, %arg0, %eq3A_84 : i32
        %convert_element_type3A_86 = arith.extui %eq3A_85 : i1 to i32
        %cond3A_87 = arith.constant 0 : i32
        %cond3A_88 = arith.cmpi ne, %convert_element_type3A_86, %cond3A_87 : i32
        scf.if %cond3A_88 {
          %dma_start3A = tpu.memref_slice %arg9[%multiple_of3A_78] : memref<10000xi32, #tpu.memory_space<vmem>> -> memref<80xi32, #tpu.memory_space<vmem>>
          %dma_start3A_89 = arith.constant 0 : i32
          %dma_start3A_90 = arith.constant 0 : i32
          %dma_start3A_91 = tpu.memref_slice %arg5[%dma_start3A_89, %dma_start3A_90] : memref<10240x128xf32, #tpu.memory_space<hbm>> -> memref<10240x128xf32, #tpu.memory_space<hbm>>
          tpu.enqueue_indirect_dma source(%dma_start3A_91 : memref<10240x128xf32, #tpu.memory_space<hbm>>) target(%arg11 : memref<80x128xf32, #tpu.memory_space<vmem>>) offsets(%dma_start3A : memref<80xi32, #tpu.memory_space<vmem>>) semaphore(%arg14 : memref<!tpu.dma_semaphore, #tpu.memory_space<semaphore_mem>>)
        } else {
        }
      } else {
      }
      %dma_wait3A_66 = arith.constant 0 : i32
      %dma_wait3A_67 = arith.constant 0 : i32
      %dma_wait3A_68 = tpu.memref_slice %arg4[%dma_wait3A_66, %dma_wait3A_67] : memref<10240x128xf32, #tpu.memory_space<hbm>> -> memref<80x128xf32, #tpu.memory_space<hbm>>
      %dma_wait3A_69 = arith.constant 0 : i32
      %dma_wait3A_70 = arith.constant 0 : i32
      %dma_wait3A_71 = tpu.memref_slice %arg4[%dma_wait3A_69, %dma_wait3A_70] : memref<10240x128xf32, #tpu.memory_space<hbm>> -> memref<80x128xf32, #tpu.memory_space<hbm>>
      tpu.wait_dma2 semaphore(%arg15 : memref<!tpu.dma_semaphore, #tpu.memory_space<semaphore_mem>>) src(%dma_wait3A_71 : memref<80x128xf32, #tpu.memory_space<hbm>>) dst(%arg12 : memref<80x128xf32, #tpu.memory_space<vmem>>)
      %add3A_72 = arith.constant 1 : i32
      %add3A_73 = arith.addi %mul3A_38, %add3A_72 : i32
      "tpu.region"() ({
        %run_scoped3A_74 = tpu.sem_alloc : memref<!tpu.dma_semaphore, #tpu.memory_space<semaphore_mem>>
        %dma_start3A = arith.constant 0 : i32
        %dma_start3A_75 = tpu.memref_slice %arg10[%add3A_73, %dma_start3A] : memref<125x80xi32, #tpu.memory_space<vmem>> -> memref<1x80xi32, #tpu.memory_space<vmem>>
        %dma_start3A_76 = tpu.memref_squeeze %dma_start3A_75 : memref<1x80xi32, #tpu.memory_space<vmem>> -> memref<80xi32, #tpu.memory_space<vmem>>
        %dma_start3A_77 = arith.constant 0 : i32
        %dma_start3A_78 = arith.constant 0 : i32
        %dma_start3A_79 = tpu.memref_slice %arg13[%dma_start3A_77, %dma_start3A_78] : memref<10240x128xf32, #tpu.memory_space<vmem_shared>> -> memref<10240x128xf32, #tpu.memory_space<vmem_shared>>
        tpu.enqueue_indirect_dma source(%arg12 : memref<80x128xf32, #tpu.memory_space<vmem>>) target(%dma_start3A_79 : memref<10240x128xf32, #tpu.memory_space<vmem_shared>>) offsets(%dma_start3A_76 : memref<80xi32, #tpu.memory_space<vmem>>) semaphore(%run_scoped3A_74 : memref<!tpu.dma_semaphore, #tpu.memory_space<semaphore_mem>>) {add = true}
        %dma_wait3A_80 = arith.constant 0 : i32
        %dma_wait3A_81 = tpu.memref_slice %arg10[%add3A_73, %dma_wait3A_80] : memref<125x80xi32, #tpu.memory_space<vmem>> -> memref<1x80xi32, #tpu.memory_space<vmem>>
        %dma_wait3A_82 = tpu.memref_squeeze %dma_wait3A_81 : memref<1x80xi32, #tpu.memory_space<vmem>> -> memref<80xi32, #tpu.memory_space<vmem>>
        %dma_wait3A_83 = arith.constant 0 : i32
        %dma_wait3A_84 = arith.constant 0 : i32
        %dma_wait3A_85 = tpu.memref_slice %arg13[%dma_wait3A_83, %dma_wait3A_84] : memref<10240x128xf32, #tpu.memory_space<vmem_shared>> -> memref<10240x128xf32, #tpu.memory_space<vmem_shared>>
        tpu.wait_indirect_dma semaphore(%run_scoped3A_74 : memref<!tpu.dma_semaphore, #tpu.memory_space<semaphore_mem>>) src(%arg12 : memref<80x128xf32, #tpu.memory_space<vmem>>) dst(%dma_wait3A_85 : memref<10240x128xf32, #tpu.memory_space<vmem_shared>>)
        tpu.yield
      }) : () -> ()
    }
    %scan3A_14 = arith.constant 62 : i32
    %dma_wait3A = arith.constant 0 : i32
    %dma_wait3A_15 = arith.constant 0 : i32
    %dma_wait3A_16 = tpu.memref_slice %arg4[%dma_wait3A, %dma_wait3A_15] : memref<10240x128xf32, #tpu.memory_space<hbm>> -> memref<80x128xf32, #tpu.memory_space<hbm>>
    %dma_wait3A_17 = arith.constant 0 : i32
    %dma_wait3A_18 = arith.constant 0 : i32
    %dma_wait3A_19 = tpu.memref_slice %arg4[%dma_wait3A_17, %dma_wait3A_18] : memref<10240x128xf32, #tpu.memory_space<hbm>> -> memref<80x128xf32, #tpu.memory_space<hbm>>
    tpu.wait_dma2 semaphore(%arg14 : memref<!tpu.dma_semaphore, #tpu.memory_space<semaphore_mem>>) src(%dma_wait3A_19 : memref<80x128xf32, #tpu.memory_space<hbm>>) dst(%arg11 : memref<80x128xf32, #tpu.memory_space<vmem>>)
    %run_scoped3A = arith.constant 124 : i32
    "tpu.region"() ({
      %run_scoped3A_33 = tpu.sem_alloc : memref<!tpu.dma_semaphore, #tpu.memory_space<semaphore_mem>>
      %dma_start3A = arith.constant 0 : i32
      %dma_start3A_34 = tpu.memref_slice %arg10[%run_scoped3A, %dma_start3A] : memref<125x80xi32, #tpu.memory_space<vmem>> -> memref<1x80xi32, #tpu.memory_space<vmem>>
      %dma_start3A_35 = tpu.memref_squeeze %dma_start3A_34 : memref<1x80xi32, #tpu.memory_space<vmem>> -> memref<80xi32, #tpu.memory_space<vmem>>
      %dma_start3A_36 = arith.constant 0 : i32
      %dma_start3A_37 = arith.constant 0 : i32
      %dma_start3A_38 = tpu.memref_slice %arg13[%dma_start3A_36, %dma_start3A_37] : memref<10240x128xf32, #tpu.memory_space<vmem_shared>> -> memref<10240x128xf32, #tpu.memory_space<vmem_shared>>
      tpu.enqueue_indirect_dma source(%arg11 : memref<80x128xf32, #tpu.memory_space<vmem>>) target(%dma_start3A_38 : memref<10240x128xf32, #tpu.memory_space<vmem_shared>>) offsets(%dma_start3A_35 : memref<80xi32, #tpu.memory_space<vmem>>) semaphore(%run_scoped3A_33 : memref<!tpu.dma_semaphore, #tpu.memory_space<semaphore_mem>>) {add = true}
      %dma_wait3A_39 = arith.constant 0 : i32
      %dma_wait3A_40 = tpu.memref_slice %arg10[%run_scoped3A, %dma_wait3A_39] : memref<125x80xi32, #tpu.memory_space<vmem>> -> memref<1x80xi32, #tpu.memory_space<vmem>>
      %dma_wait3A_41 = tpu.memref_squeeze %dma_wait3A_40 : memref<1x80xi32, #tpu.memory_space<vmem>> -> memref<80xi32, #tpu.memory_space<vmem>>
      %dma_wait3A_42 = arith.constant 0 : i32
      %dma_wait3A_43 = arith.constant 0 : i32
      %dma_wait3A_44 = tpu.memref_slice %arg13[%dma_wait3A_42, %dma_wait3A_43] : memref<10240x128xf32, #tpu.memory_space<vmem_shared>> -> memref<10240x128xf32, #tpu.memory_space<vmem_shared>>
      tpu.wait_indirect_dma semaphore(%run_scoped3A_33 : memref<!tpu.dma_semaphore, #tpu.memory_space<semaphore_mem>>) src(%arg11 : memref<80x128xf32, #tpu.memory_space<vmem>>) dst(%dma_wait3A_44 : memref<10240x128xf32, #tpu.memory_space<vmem_shared>>)
      tpu.yield
    }) : () -> ()
    %barrier3A_20 = arith.constant 0 : index
    tpu.barrier barrier_id(%barrier3A_20)
    %mul3A_21 = arith.constant 640 : i32
    %mul3A_22 = arith.muli %arg1, %mul3A_21 : i32
    %eq3A_23 = arith.constant 0 : i32
    %eq3A_24 = arith.cmpi eq, %arg0, %eq3A_23 : i32
    %convert_element_type3A_25 = arith.extui %eq3A_24 : i1 to i32
    %cond3A_26 = arith.constant 0 : i32
    %cond3A_27 = arith.cmpi ne, %convert_element_type3A_25, %cond3A_26 : i32
    scf.if %cond3A_27 {
      "tpu.region"() ({
        %run_scoped3A_33 = tpu.sem_alloc : memref<!tpu.dma_semaphore, #tpu.memory_space<semaphore_mem>>
        %dma_start3A = arith.constant 0 : i32
        %dma_start3A_34 = tpu.memref_slice %arg7[%mul3A_22, %dma_start3A] : memref<10240x128xf32, #tpu.memory_space<hbm>> -> memref<640x128xf32, #tpu.memory_space<hbm>>
        %dma_start3A_35 = arith.constant 0 : i32
        %dma_start3A_36 = tpu.memref_slice %arg13[%mul3A_22, %dma_start3A_35] : memref<10240x128xf32, #tpu.memory_space<vmem_shared>> -> memref<640x128xf32, #tpu.memory_space<vmem_shared>>
        tpu.enqueue_dma source(%dma_start3A_36 : memref<640x128xf32, #tpu.memory_space<vmem_shared>>) target(%dma_start3A_34 : memref<640x128xf32, #tpu.memory_space<hbm>>) target_semaphore(%run_scoped3A_33 : memref<!tpu.dma_semaphore, #tpu.memory_space<semaphore_mem>>)
        %dma_wait3A_37 = arith.constant 0 : i32
        %dma_wait3A_38 = tpu.memref_slice %arg7[%mul3A_22, %dma_wait3A_37] : memref<10240x128xf32, #tpu.memory_space<hbm>> -> memref<640x128xf32, #tpu.memory_space<hbm>>
        %dma_wait3A_39 = arith.constant 0 : i32
        %dma_wait3A_40 = tpu.memref_slice %arg13[%mul3A_22, %dma_wait3A_39] : memref<10240x128xf32, #tpu.memory_space<vmem_shared>> -> memref<640x128xf32, #tpu.memory_space<vmem_shared>>
        tpu.wait_dma2 semaphore(%run_scoped3A_33 : memref<!tpu.dma_semaphore, #tpu.memory_space<semaphore_mem>>) src(%dma_wait3A_40 : memref<640x128xf32, #tpu.memory_space<vmem_shared>>) dst(%dma_wait3A_38 : memref<640x128xf32, #tpu.memory_space<hbm>>)
        tpu.yield
      }) : () -> ()
    } else {
    }
    %eq3A_28 = arith.constant 1 : i32
    %eq3A_29 = arith.cmpi eq, %arg0, %eq3A_28 : i32
    %convert_element_type3A_30 = arith.extui %eq3A_29 : i1 to i32
    %cond3A_31 = arith.constant 0 : i32
    %cond3A_32 = arith.cmpi ne, %convert_element_type3A_30, %cond3A_31 : i32
    scf.if %cond3A_32 {
      "tpu.region"() ({
        %run_scoped3A_33 = tpu.sem_alloc : memref<!tpu.dma_semaphore, #tpu.memory_space<semaphore_mem>>
        %dma_start3A = arith.constant 0 : i32
        %dma_start3A_34 = tpu.memref_slice %arg8[%mul3A_22, %dma_start3A] : memref<10240x128xf32, #tpu.memory_space<hbm>> -> memref<640x128xf32, #tpu.memory_space<hbm>>
        %dma_start3A_35 = arith.constant 0 : i32
        %dma_start3A_36 = tpu.memref_slice %arg13[%mul3A_22, %dma_start3A_35] : memref<10240x128xf32, #tpu.memory_space<vmem_shared>> -> memref<640x128xf32, #tpu.memory_space<vmem_shared>>
        tpu.enqueue_dma source(%dma_start3A_36 : memref<640x128xf32, #tpu.memory_space<vmem_shared>>) target(%dma_start3A_34 : memref<640x128xf32, #tpu.memory_space<hbm>>) target_semaphore(%run_scoped3A_33 : memref<!tpu.dma_semaphore, #tpu.memory_space<semaphore_mem>>)
        %dma_wait3A_37 = arith.constant 0 : i32
        %dma_wait3A_38 = tpu.memref_slice %arg8[%mul3A_22, %dma_wait3A_37] : memref<10240x128xf32, #tpu.memory_space<hbm>> -> memref<640x128xf32, #tpu.memory_space<hbm>>
        %dma_wait3A_39 = arith.constant 0 : i32
        %dma_wait3A_40 = tpu.memref_slice %arg13[%mul3A_22, %dma_wait3A_39] : memref<10240x128xf32, #tpu.memory_space<vmem_shared>> -> memref<640x128xf32, #tpu.memory_space<vmem_shared>>
        tpu.wait_dma2 semaphore(%run_scoped3A_33 : memref<!tpu.dma_semaphore, #tpu.memory_space<semaphore_mem>>) src(%dma_wait3A_40 : memref<640x128xf32, #tpu.memory_space<vmem_shared>>) dst(%dma_wait3A_38 : memref<640x128xf32, #tpu.memory_space<hbm>>)
        tpu.yield
      }) : () -> ()
    } else {
    }
    return
  }
}

module attributes {stable_mosaic.version = 14 : i64} {
  func.func @_mm1_body(%arg0: i32, %arg1: memref<1024x256xf32, #tpu.memory_space<vmem>>, %arg2: memref<1024x32xf32, #tpu.memory_space<vmem>>, %arg3: memref<256x256xf32, #tpu.memory_space<vmem>>, %arg4: memref<1024x128xf32, #tpu.memory_space<vmem>>, %arg5: memref<1024x128xf32, #tpu.memory_space<vmem>>) attributes {dimension_semantics = [#tpu.dimension_semantics<arbitrary>], iteration_bounds = array<i64: 10>, scalar_prefetch = 0 : i64, scratch_operands = 0 : i64, tpu.core_type = #tpu.core_type<tc>, window_params = [{transform_indices = @transform_0, window_bounds = array<i64: 1024, 256>}, {transform_indices = @transform_1, window_bounds = array<i64: 1024, 32>}, {pipeline_mode = #tpu.pipeline_mode<synchronous>, transform_indices = @transform_2, window_bounds = array<i64: 256, 256>}, {transform_indices = @transform_3, window_bounds = array<i64: 1024, 128>}, {transform_indices = @transform_4, window_bounds = array<i64: 1024, 128>}]} {
    %get3A = arith.constant 0 : index
    %get3A_0 = arith.constant 0 : index
    %get3A_1 = vector.load %arg2[%get3A, %get3A_0] : memref<1024x32xf32, #tpu.memory_space<vmem>>, vector<1024x32xf32>
    %reduce_sum3A = arith.constant dense<0.000000e+00> : vector<1024xf32>
    %reduce_sum3A_2 = vector.multi_reduction <add>, %get3A_1, %reduce_sum3A [1] : vector<1024x32xf32> to vector<1024xf32>
    %broadcast_in_dim3A = vector.shape_cast %reduce_sum3A_2 : vector<1024xf32> to vector<1024x1xf32>
    %max3A = arith.constant 1.000000e+00 : f32
    %max3A_3 = vector.broadcast %max3A : f32 to vector<1024x1xf32>
    %max3A_4 = arith.maximumf %broadcast_in_dim3A, %max3A_3 : vector<1024x1xf32>
    %rsqrt3A = math.rsqrt %max3A_4 : vector<1024x1xf32>
    %get3A_5 = arith.constant 0 : index
    %get3A_6 = arith.constant 0 : index
    %get3A_7 = vector.load %arg1[%get3A_5, %get3A_6] : memref<1024x256xf32, #tpu.memory_space<vmem>>, vector<1024x256xf32>
    %get3A_8 = arith.constant 0 : index
    %get3A_9 = arith.constant 0 : index
    %get3A_10 = vector.load %arg3[%get3A_8, %get3A_9] : memref<256x256xf32, #tpu.memory_space<vmem>>, vector<256x256xf32>
    %dot_general3A = arith.constant dense<0.000000e+00> : vector<1024x256xf32>
    %dot_general3A_11 = tpu.matmul %get3A_7, %get3A_10, %dot_general3A {dimension_numbers = #tpu.dot_dimension_numbers<[1], [0], [0], [1], [0, 0, 1, 1], [], []>, transpose_lhs_hint = false} : vector<1024x256xf32>, vector<256x256xf32>, vector<1024x256xf32> -> vector<1024x256xf32>
    %mul3A = vector.broadcast %rsqrt3A : vector<1024x1xf32> to vector<1024x256xf32>
    %mul3A_12 = arith.mulf %dot_general3A_11, %mul3A : vector<1024x256xf32>
    %slice3A = vector.extract_strided_slice %mul3A_12 {offsets = [0, 0], sizes = [1024, 128], strides = [1, 1]} : vector<1024x256xf32> to vector<1024x128xf32>
    %swap3A = arith.constant 0 : index
    %swap3A_13 = arith.constant 0 : index
    %swap3A_14 = vector.load %arg4[%swap3A, %swap3A_13] : memref<1024x128xf32, #tpu.memory_space<vmem>>, vector<1024x128xf32>
    tpu.vector_store %arg4[%swap3A, %swap3A_13], %slice3A {strides = array<i32>} : memref<1024x128xf32, #tpu.memory_space<vmem>>, vector<1024x128xf32>,
    %slice3A_15 = vector.extract_strided_slice %mul3A_12 {offsets = [0, 128], sizes = [1024, 128], strides = [1, 1]} : vector<1024x256xf32> to vector<1024x128xf32>
    %swap3A_16 = arith.constant 0 : index
    %swap3A_17 = arith.constant 0 : index
    %swap3A_18 = vector.load %arg5[%swap3A_16, %swap3A_17] : memref<1024x128xf32, #tpu.memory_space<vmem>>, vector<1024x128xf32>
    tpu.vector_store %arg5[%swap3A_16, %swap3A_17], %slice3A_15 {strides = array<i32>} : memref<1024x128xf32, #tpu.memory_space<vmem>>, vector<1024x128xf32>,
    return
  }
  func.func @transform_0(%arg0: i32) -> (i32, i32) {
    %c0_i32 = arith.constant 0 : i32
    %c0_i32_0 = arith.constant 0 : i32
    return %arg0, %c0_i32 : i32, i32
  }
  func.func @transform_1(%arg0: i32) -> (i32, i32) {
    %c0_i32 = arith.constant 0 : i32
    %c0_i32_0 = arith.constant 0 : i32
    return %arg0, %c0_i32 : i32, i32
  }
  func.func @transform_2(%arg0: i32) -> (i32, i32) {
    %c0_i32 = arith.constant 0 : i32
    %c0_i32_0 = arith.constant 0 : i32
    %c0_i32_1 = arith.constant 0 : i32
    return %c0_i32, %c0_i32_0 : i32, i32
  }
  func.func @transform_3(%arg0: i32) -> (i32, i32) {
    %c0_i32 = arith.constant 0 : i32
    %c0_i32_0 = arith.constant 0 : i32
    return %arg0, %c0_i32 : i32, i32
  }
  func.func @transform_4(%arg0: i32) -> (i32, i32) {
    %c0_i32 = arith.constant 0 : i32
    %c0_i32_0 = arith.constant 0 : i32
    return %arg0, %c0_i32 : i32, i32
  }
}

module attributes {stable_mosaic.version = 14 : i64} {
  func.func @_fin_body(%arg0: i32, %arg1: memref<1024x128xf32, #tpu.memory_space<vmem>>, %arg2: memref<1024x128xf32, #tpu.memory_space<vmem>>, %arg3: memref<1024x32xf32, #tpu.memory_space<vmem>>, %arg4: memref<1x256xf32, #tpu.memory_space<vmem>>, %arg5: memref<1024x256xf32, #tpu.memory_space<vmem>>) attributes {dimension_semantics = [#tpu.dimension_semantics<arbitrary>], iteration_bounds = array<i64: 10>, scalar_prefetch = 0 : i64, scratch_operands = 0 : i64, tpu.core_type = #tpu.core_type<tc>, window_params = [{transform_indices = @transform_0, window_bounds = array<i64: 1024, 128>}, {transform_indices = @transform_1, window_bounds = array<i64: 1024, 128>}, {transform_indices = @transform_2, window_bounds = array<i64: 1024, 32>}, {pipeline_mode = #tpu.pipeline_mode<synchronous>, transform_indices = @transform_3, window_bounds = array<i64: 1, 256>}, {transform_indices = @transform_4, window_bounds = array<i64: 1024, 256>}]} {
    %get3A = arith.constant 0 : index
    %get3A_0 = arith.constant 0 : index
    %get3A_1 = vector.load %arg3[%get3A, %get3A_0] : memref<1024x32xf32, #tpu.memory_space<vmem>>, vector<1024x32xf32>
    %reduce_sum3A = arith.constant dense<0.000000e+00> : vector<1024xf32>
    %reduce_sum3A_2 = vector.multi_reduction <add>, %get3A_1, %reduce_sum3A [1] : vector<1024x32xf32> to vector<1024xf32>
    %broadcast_in_dim3A = vector.shape_cast %reduce_sum3A_2 : vector<1024xf32> to vector<1024x1xf32>
    %max3A = arith.constant 1.000000e+00 : f32
    %max3A_3 = vector.broadcast %max3A : f32 to vector<1024x1xf32>
    %max3A_4 = arith.maximumf %broadcast_in_dim3A, %max3A_3 : vector<1024x1xf32>
    %rsqrt3A = math.rsqrt %max3A_4 : vector<1024x1xf32>
    %get3A_5 = arith.constant 0 : index
    %get3A_6 = arith.constant 0 : index
    %get3A_7 = vector.load %arg1[%get3A_5, %get3A_6] : memref<1024x128xf32, #tpu.memory_space<vmem>>, vector<1024x128xf32>
    %get3A_8 = arith.constant 0 : index
    %get3A_9 = arith.constant 0 : index
    %get3A_10 = vector.load %arg2[%get3A_8, %get3A_9] : memref<1024x128xf32, #tpu.memory_space<vmem>>, vector<1024x128xf32>
    %concatenate3A = tpu.concatenate %get3A_7, %get3A_10 in 1 : vector<1024x128xf32>, vector<1024x128xf32> -> vector<1024x256xf32>
    %mul3A = vector.broadcast %rsqrt3A : vector<1024x1xf32> to vector<1024x256xf32>
    %mul3A_11 = arith.mulf %concatenate3A, %mul3A : vector<1024x256xf32>
    %get3A_12 = arith.constant 0 : index
    %get3A_13 = arith.constant 0 : index
    %get3A_14 = vector.load %arg4[%get3A_12, %get3A_13] : memref<1x256xf32, #tpu.memory_space<vmem>>, vector<1x256xf32>
    %add3A = vector.broadcast %get3A_14 : vector<1x256xf32> to vector<1024x256xf32>
    %add3A_15 = arith.addf %mul3A_11, %add3A : vector<1024x256xf32>
    %swap3A = arith.constant 0 : index
    %swap3A_16 = arith.constant 0 : index
    %swap3A_17 = vector.load %arg5[%swap3A, %swap3A_16] : memref<1024x256xf32, #tpu.memory_space<vmem>>, vector<1024x256xf32>
    tpu.vector_store %arg5[%swap3A, %swap3A_16], %add3A_15 {strides = array<i32>} : memref<1024x256xf32, #tpu.memory_space<vmem>>, vector<1024x256xf32>,
    return
  }
  func.func @transform_0(%arg0: i32) -> (i32, i32) {
    %c0_i32 = arith.constant 0 : i32
    %c0_i32_0 = arith.constant 0 : i32
    return %arg0, %c0_i32 : i32, i32
  }
  func.func @transform_1(%arg0: i32) -> (i32, i32) {
    %c0_i32 = arith.constant 0 : i32
    %c0_i32_0 = arith.constant 0 : i32
    return %arg0, %c0_i32 : i32, i32
  }
  func.func @transform_2(%arg0: i32) -> (i32, i32) {
    %c0_i32 = arith.constant 0 : i32
    %c0_i32_0 = arith.constant 0 : i32
    return %arg0, %c0_i32 : i32, i32
  }
  func.func @transform_3(%arg0: i32) -> (i32, i32) {
    %c0_i32 = arith.constant 0 : i32
    %c0_i32_0 = arith.constant 0 : i32
    %c0_i32_1 = arith.constant 0 : i32
    return %c0_i32, %c0_i32_0 : i32, i32
  }
  func.func @transform_4(%arg0: i32) -> (i32, i32) {
    %c0_i32 = arith.constant 0 : i32
    %c0_i32_0 = arith.constant 0 : i32
    return %arg0, %c0_i32 : i32, i32
  }
}

module attributes {stable_mosaic.version = 14 : i64} {
  func.func @_mm2_body(%arg0: i32, %arg1: memref<1024x128xf32, #tpu.memory_space<vmem>>, %arg2: memref<1024x128xf32, #tpu.memory_space<vmem>>, %arg3: memref<1024x32xf32, #tpu.memory_space<vmem>>, %arg4: memref<1x256xf32, #tpu.memory_space<vmem>>, %arg5: memref<256x256xf32, #tpu.memory_space<vmem>>, %arg6: memref<1024x128xf32, #tpu.memory_space<vmem>>, %arg7: memref<1024x128xf32, #tpu.memory_space<vmem>>) attributes {dimension_semantics = [#tpu.dimension_semantics<arbitrary>], iteration_bounds = array<i64: 10>, scalar_prefetch = 0 : i64, scratch_operands = 0 : i64, tpu.core_type = #tpu.core_type<tc>, window_params = [{transform_indices = @transform_0, window_bounds = array<i64: 1024, 128>}, {transform_indices = @transform_1, window_bounds = array<i64: 1024, 128>}, {transform_indices = @transform_2, window_bounds = array<i64: 1024, 32>}, {pipeline_mode = #tpu.pipeline_mode<synchronous>, transform_indices = @transform_3, window_bounds = array<i64: 1, 256>}, {pipeline_mode = #tpu.pipeline_mode<synchronous>, transform_indices = @transform_4, window_bounds = array<i64: 256, 256>}, {transform_indices = @transform_5, window_bounds = array<i64: 1024, 128>}, {transform_indices = @transform_6, window_bounds = array<i64: 1024, 128>}]} {
    %get3A = arith.constant 0 : index
    %get3A_0 = arith.constant 0 : index
    %get3A_1 = vector.load %arg3[%get3A, %get3A_0] : memref<1024x32xf32, #tpu.memory_space<vmem>>, vector<1024x32xf32>
    %reduce_sum3A = arith.constant dense<0.000000e+00> : vector<1024xf32>
    %reduce_sum3A_2 = vector.multi_reduction <add>, %get3A_1, %reduce_sum3A [1] : vector<1024x32xf32> to vector<1024xf32>
    %broadcast_in_dim3A = vector.shape_cast %reduce_sum3A_2 : vector<1024xf32> to vector<1024x1xf32>
    %max3A = arith.constant 1.000000e+00 : f32
    %max3A_3 = vector.broadcast %max3A : f32 to vector<1024x1xf32>
    %max3A_4 = arith.maximumf %broadcast_in_dim3A, %max3A_3 : vector<1024x1xf32>
    %rsqrt3A = math.rsqrt %max3A_4 : vector<1024x1xf32>
    %get3A_5 = arith.constant 0 : index
    %get3A_6 = arith.constant 0 : index
    %get3A_7 = vector.load %arg1[%get3A_5, %get3A_6] : memref<1024x128xf32, #tpu.memory_space<vmem>>, vector<1024x128xf32>
    %get3A_8 = arith.constant 0 : index
    %get3A_9 = arith.constant 0 : index
    %get3A_10 = vector.load %arg2[%get3A_8, %get3A_9] : memref<1024x128xf32, #tpu.memory_space<vmem>>, vector<1024x128xf32>
    %concatenate3A = tpu.concatenate %get3A_7, %get3A_10 in 1 : vector<1024x128xf32>, vector<1024x128xf32> -> vector<1024x256xf32>
    %mul3A = vector.broadcast %rsqrt3A : vector<1024x1xf32> to vector<1024x256xf32>
    %mul3A_11 = arith.mulf %concatenate3A, %mul3A : vector<1024x256xf32>
    %get3A_12 = arith.constant 0 : index
    %get3A_13 = arith.constant 0 : index
    %get3A_14 = vector.load %arg4[%get3A_12, %get3A_13] : memref<1x256xf32, #tpu.memory_space<vmem>>, vector<1x256xf32>
    %add3A = vector.broadcast %get3A_14 : vector<1x256xf32> to vector<1024x256xf32>
    %add3A_15 = arith.addf %mul3A_11, %add3A : vector<1024x256xf32>
    %get3A_16 = arith.constant 0 : index
    %get3A_17 = arith.constant 0 : index
    %get3A_18 = vector.load %arg5[%get3A_16, %get3A_17] : memref<256x256xf32, #tpu.memory_space<vmem>>, vector<256x256xf32>
    %dot_general3A = arith.constant dense<0.000000e+00> : vector<1024x256xf32>
    %dot_general3A_19 = tpu.matmul %add3A_15, %get3A_18, %dot_general3A {dimension_numbers = #tpu.dot_dimension_numbers<[1], [0], [0], [1], [0, 0, 1, 1], [], []>, transpose_lhs_hint = false} : vector<1024x256xf32>, vector<256x256xf32>, vector<1024x256xf32> -> vector<1024x256xf32>
    %mul3A_20 = vector.broadcast %rsqrt3A : vector<1024x1xf32> to vector<1024x256xf32>
    %mul3A_21 = arith.mulf %dot_general3A_19, %mul3A_20 : vector<1024x256xf32>
    %slice3A = vector.extract_strided_slice %mul3A_21 {offsets = [0, 0], sizes = [1024, 128], strides = [1, 1]} : vector<1024x256xf32> to vector<1024x128xf32>
    %swap3A = arith.constant 0 : index
    %swap3A_22 = arith.constant 0 : index
    %swap3A_23 = vector.load %arg6[%swap3A, %swap3A_22] : memref<1024x128xf32, #tpu.memory_space<vmem>>, vector<1024x128xf32>
    tpu.vector_store %arg6[%swap3A, %swap3A_22], %slice3A {strides = array<i32>} : memref<1024x128xf32, #tpu.memory_space<vmem>>, vector<1024x128xf32>,
    %slice3A_24 = vector.extract_strided_slice %mul3A_21 {offsets = [0, 128], sizes = [1024, 128], strides = [1, 1]} : vector<1024x256xf32> to vector<1024x128xf32>
    %swap3A_25 = arith.constant 0 : index
    %swap3A_26 = arith.constant 0 : index
    %swap3A_27 = vector.load %arg7[%swap3A_25, %swap3A_26] : memref<1024x128xf32, #tpu.memory_space<vmem>>, vector<1024x128xf32>
    tpu.vector_store %arg7[%swap3A_25, %swap3A_26], %slice3A_24 {strides = array<i32>} : memref<1024x128xf32, #tpu.memory_space<vmem>>, vector<1024x128xf32>,
    return
  }
  func.func @transform_0(%arg0: i32) -> (i32, i32) {
    %c0_i32 = arith.constant 0 : i32
    %c0_i32_0 = arith.constant 0 : i32
    return %arg0, %c0_i32 : i32, i32
  }
  func.func @transform_1(%arg0: i32) -> (i32, i32) {
    %c0_i32 = arith.constant 0 : i32
    %c0_i32_0 = arith.constant 0 : i32
    return %arg0, %c0_i32 : i32, i32
  }
  func.func @transform_2(%arg0: i32) -> (i32, i32) {
    %c0_i32 = arith.constant 0 : i32
    %c0_i32_0 = arith.constant 0 : i32
    return %arg0, %c0_i32 : i32, i32
  }
  func.func @transform_3(%arg0: i32) -> (i32, i32) {
    %c0_i32 = arith.constant 0 : i32
    %c0_i32_0 = arith.constant 0 : i32
    %c0_i32_1 = arith.constant 0 : i32
    return %c0_i32, %c0_i32_0 : i32, i32
  }
  func.func @transform_4(%arg0: i32) -> (i32, i32) {
    %c0_i32 = arith.constant 0 : i32
    %c0_i32_0 = arith.constant 0 : i32
    %c0_i32_1 = arith.constant 0 : i32
    return %c0_i32, %c0_i32_0 : i32, i32
  }
  func.func @transform_5(%arg0: i32) -> (i32, i32) {
    %c0_i32 = arith.constant 0 : i32
    %c0_i32_0 = arith.constant 0 : i32
    return %arg0, %c0_i32 : i32, i32
  }
  func.func @transform_6(%arg0: i32) -> (i32, i32) {
    %c0_i32 = arith.constant 0 : i32
    %c0_i32_0 = arith.constant 0 : i32
    return %arg0, %c0_i32 : i32, i32
  }
}

</mosaic_0001>

<sc_bundles>
// kernel: kernel.11.cloned.1.call-start
scs
__scs_entry_jumppad:
0x0: {  	(pc) =	sbr.rel $0x88, $3  }
0x1: {  	(tag) =	ssettag $0x0;
	lr =	simm.s32 $0x1  }
0x2: {  	[smem:$0x3F9B] =	sst lr;
	_ =	strace $0xD0000000  }
0x3: {  	_ = 	snop  }
0x4: {  	_ = 	snop  }
0x5: {  	_ = 	snop  }
0x6: {  	_ = 	snop  }
0x7: {  	_ = 	snop  }
__scs_overlays_trampoline_lowered:
0x8: {  	[smem:$0x3FAA] =	sst s0  }
0x9: {  	[smem:$0x3FAB] =	sst s1  }
0xa: {  	[smem:$0x3FAC] =	sst s2  }
0xb: {  	[smem:$0x3FAD] =	sst s3  }
0xc: {  	[smem:$0x3FAE] =	sst s4  }
0xd: {  	[smem:$0x3FAF] =	sst s5  }
0xe: {  	[smem:$0x3FB0] =	sst s6  }
0xf: {  	[smem:$0x3FB1] =	sst s7  }
0x10: {  	[smem:$0x3FB2] =	sst s8  }
0x11: {  	[smem:$0x3FB3] =	sst s9;
	s0 =	simm.s32 @!p0 $0x0  }
0x12: {  	s1 =	sld [smem:$0x3F99];
	s0 =	simm.s32 @p0 $0x1  }
0x13: {  	[smem:$0x3FB4] =	sst s0;
	s0 =	simm.s32 @!p1 $0x0  }
0x14: {  	s2 =	sld [smem:$0x3F98];
	s0 =	simm.s32 @p1 $0x1  }
0x15: {  	[smem:$0x3FB5] =	sst s0;
	s0 =	simm.s32 @!p2 $0x0  }
0x16: {  	s3 =	sld [smem:$0x3FDB];
	s0 =	simm.s32 @p2 $0x1  }
0x17: {  	s4 =	simm.s32 $0x1BF5;
	[smem:$0x3FB7] =	sst s0  }
0x18: {  	s0 =	sld [smem:$0x3F9A];
	_ =	swait.ge [sflag:s4], $0x0  }
0x19: {  	s7 =	sld [smem:$0x3F9B]  }
0x1a: {  	s8 =	sadd.s32 $0xFFFFE003, lr  }
0x1b: {  	s9 =	sadd.s32 $0xFFFFFEF7, lr;
	s5 =	simm.s32 $0xFFFFFFFF;
	p2 =	slt.u32 s8, $0xFFFFF086  }
0x1c: {  	p1 =	slt.u32 s9, $0xF7A;
	s5 =	simm.s32 @!p2 $0x0  }
0x1d: {  	s5 =	simm.s32 @p1 $0x1;
	p0 =	seq.s32 s7, s2  }
0x1e: {  	s7 =	smul.u32 @!p0 $0xF7A, s2;
	p2 =	seq.s32 @!p0 s5, $0x0  }
0x1f: {  	s9 =	smul.u32 $0xF7A, s1;
	s8 =	simm.s32 @!p0 $0x1BF5;
	p2 =	por !p2, p0  }
0x20: {  	[sflag:s8] =	ssyncset.s32 @!p0 $0xFFFFF086;
	s6 =	sadd.s32 @!p0 s3, s7;
	s7 =	simm.s32 @!p0 $0x108  }
0x21: {  	s3 =	sadd.s32 s3, s9;
	s6 =	sadd.s32 @!p0 $0x88, s6;
	s7 =	simm.s32 @p2 $0x1082  }
0x22: {  	[simem:s7], [sflag:s8] =	dma.local @!p0 [hbm:s6], $0xF7A  }
0x23: {  	s9 =	sor.u32 $0xD0000000, s2;
	s6 =	simm.s32 $0x108;
	_ =	swait.ge @!p0 [sflag:s8], $0x0  }
0x24: {  	s3 =	sadd.s32 $0x88, s3;
	s6 =	simm.s32 @!p1 $0x1082;
	[sflag:s4] =	ssyncset.s32 $0xFFFFF086  }
0x25: {  	[simem:s6], [sflag:s4] =	dma.local [hbm:s3], $0xF7A  }
0x26: {  	[smem:$0x3F9B] =	sst s1;
	(tag) =	ssettag s2;
	_ =	strace s9  }
0x27: {  	s1 =	sld [smem:$0x3FAB]  }
0x28: {  	s2 =	sld [smem:$0x3FAC]  }
0x29: {  	s4 =	sld [smem:$0x3FAE]  }
0x2a: {  	p0 =	seq.s32 s5, $0x0;
	s5 =	sld [smem:$0x3FAF]  }
0x2b: {  	s6 =	sld [smem:$0x3FB0]  }
0x2c: {  	s7 =	sld [smem:$0x3FB1]  }
0x2d: {  	s3 =	simm.s32 $0x108;
	s8 =	sld [smem:$0x3FB2]  }
0x2e: {  	s3 =	simm.s32 @!p0 $0x1082;
	s9 =	sld [smem:$0x3FB3]  }
0x2f: {  	lr =	sadd.s32 s0, s3;
	s0 =	sld [smem:$0x3FAA]  }
0x30: {  	s3 =	sld [smem:$0x3FAD]  }
0x31: {  	[smem:$0x3FB6] =	sst s10  }
0x32: {  	s10 =	sld [smem:$0x3FB4];
	_ =	sdelay $0x3  }
0x33: {  	p0 =	seq.s32 s10, $0x1;
	s10 =	sld [smem:$0x3FB6];
	_ =	sdelay $0x3  }
0x34: {  	[smem:$0x3FB6] =	sst s10  }
0x35: {  	s10 =	sld [smem:$0x3FB5];
	_ =	sdelay $0x3  }
0x36: {  	p1 =	seq.s32 s10, $0x1;
	s10 =	sld [smem:$0x3FB6];
	_ =	sdelay $0x3  }
0x37: {  	[smem:$0x3FB6] =	sst s10  }
0x38: {  	s10 =	sld [smem:$0x3FB7]  }
0x39: {  	_ = 	snop;
	(pc) =	sbr.ind lr, $3  }
0x3a: {  	_ = 	snop  }
0x3b: {  	_ = 	snop  }
0x3c: {  	p2 =	seq.s32 s10, $0x1;
	s10 =	sld [smem:$0x3FB6]  }
0x3d: {  	_ =	shalt  }
0x3e: {  	_ =	shalt  }
0x3f: {  	_ =	shalt  }
0x40: {  	_ =	shalt  }
0x41: {  	_ =	shalt  }
0x42: {  	_ =	shalt  }
0x43: {  	_ =	shalt  }
0x44: {  	_ =	shalt  }
0x45: {  	_ =	shalt  }
0x46: {  	_ =	shalt  }
0x47: {  	_ =	shalt  }
0x48: {  	_ =	shalt  }
0x49: {  	_ =	shalt  }
0x4a: {  	_ =	shalt  }
0x4b: {  	_ =	shalt  }
0x4c: {  	_ =	shalt  }
0x4d: {  	_ =	shalt  }
0x4e: {  	_ =	shalt  }
0x4f: {  	_ =	shalt  }
0x50: {  	_ =	shalt  }
0x51: {  	_ =	shalt  }
0x52: {  	_ =	shalt  }
0x53: {  	_ =	shalt  }
0x54: {  	_ =	shalt  }
0x55: {  	_ =	shalt  }
0x56: {  	_ =	shalt  }
0x57: {  	_ =	shalt  }
0x58: {  	_ =	shalt  }
0x59: {  	_ =	shalt  }
0x5a: {  	_ =	shalt  }
0x5b: {  	_ =	shalt  }
0x5c: {  	_ =	shalt  }
0x5d: {  	_ =	shalt  }
0x5e: {  	_ =	shalt  }
0x5f: {  	_ =	shalt  }
0x60: {  	_ =	shalt  }
0x61: {  	_ =	shalt  }
0x62: {  	_ =	shalt  }
0x63: {  	_ =	shalt  }
0x64: {  	_ =	shalt  }
0x65: {  	_ =	shalt  }
0x66: {  	_ =	shalt  }
0x67: {  	_ =	shalt  }
0x68: {  	_ =	shalt  }
0x69: {  	_ =	shalt  }
0x6a: {  	_ =	shalt  }
0x6b: {  	_ =	shalt  }
0x6c: {  	_ =	shalt  }
0x6d: {  	_ =	shalt  }
0x6e: {  	_ =	shalt  }
0x6f: {  	_ =	shalt  }
0x70: {  	_ =	shalt  }
0x71: {  	_ =	shalt  }
0x72: {  	_ =	shalt  }
0x73: {  	_ =	shalt  }
0x74: {  	_ =	shalt  }
0x75: {  	_ =	shalt  }
0x76: {  	_ =	shalt  }
0x77: {  	_ =	shalt  }
0x78: {  	_ =	shalt  }
0x79: {  	_ =	shalt  }
0x7a: {  	_ =	shalt  }
0x7b: {  	_ =	shalt  }
0x7c: {  	_ =	shalt  }
0x7d: {  	_ =	shalt  }
0x7e: {  	_ =	shalt  }
0x7f: {  	_ =	shalt  }
0x80: {  	_ =	shalt  }
0x81: {  	_ =	shalt  }
0x82: {  	_ =	shalt  }
0x83: {  	_ =	shalt  }
0x84: {  	_ =	shalt  }
0x85: {  	_ =	shalt  }
0x86: {  	_ =	shalt  }
0x87: {  	_ =	shalt  }
.Lfunc_end0:
.L_simem_size_0:
called_computation.1_lowered:
.L_overlay_start_0:
0x88: {  	s2 =	sld [smem:$0x3FD9]  }
0x89: {  	s3 =	sld [smem:$0x3FFE];
	_ =	sdelay $0x1  }
0x8a: {  	s1 =	srdreg.scid  }
0x8b: {  	s0 =	sand.u32 $0x1, s1  }
0x8c: {  	s17 =	sshll.u32 s0, $0xA;
	s2 =	sadd.s32 s3, s2  }
0x8d: {  	s2 =	sadd.s32 s2, s17  }
0x8e: {  	[smem:$0x3FC2] =	sst s2  }
0x8f: {  	_ = 	snop  }
0x90: {  	s2 =	sld [smem:$0x3FD0];
	(tm) =	ssettm $0x1  }
0x91: {  	s18 =	sld [smem:$0x3FFB];
	_ =	sdelay $0x3  }
0x92: {  	_ =	strace s18  }
0x93: {  	s3 =	sld [smem:$0x3FFC];
	_ =	sdelay $0x3  }
0x94: {  	_ =	strace s3  }
0x95: {  	s3 =	sld [smem:$0x3FFD];
	_ =	sdelay $0x3  }
0x96: {  	_ =	strace s3  }
0x97: {  	_ =	strace $0x8FFFFFFF  }
0x98: {  	s19 =	sld [smem:$0x3FDB];
	_ =	sdelay $0x1  }
0x99: {  	s4 =	simm.s32 $_scs_section_size  }
0x9a: {  	s5 =	simm.s32 $_size__tile_overlayer_lowered;
	s6 =	simm.s32 $_tile_overlayer_lowered  }
0x9b: {  	s22 =	simm.s32 $0x1BFF;
	s21 =	sshll.u32 s6, $0x1;
	s3 =	sadd.s32 s4, s19  }
0x9c: {  	s7 =	simm.s32 $0x0;
	s20 =	sshll.u32 s5, $0x1;
	s5 =	sadd.s32 s21, s3  }
0x9d: {  	[timem:s7], [sflag:s22] =	dma.local [hbm:s5], s20  }
0x9e: {  	_ =	swait.ge [sflag:s22], s20  }
0x9f: {  	s4 =	ssub.s32 $0x0, s20;
	[sflag:s22] =	ssyncset.done $0x0  }
0xa0: {  	[sflag:s22] =	ssyncadd.s32 s4;
	_ =	sdelay $0x1  }
0xa1: {  	s23 =	simm.s32 $0x1B8B  }
0xa2: {  	_ =	swait.ge [sflag:s23], $0x1  }
0xa3: {  	[sflag:s23] =	ssyncset.done $0x0  }
0xa4: {  	s25 =	simm.s32 $0x1B8E;
	s24 =	sld [smem:$0x3FFE];
	[sflag:s23] =	ssyncadd.s32 $0xFFFFFFFF  }
0xa5: {  	s26 =	simm.s32 $execute0_lowered;
	[smem:$0x3FD2] =	sst s25  }
0xa6: {  	s5 =	sshll.u32 s26, $0x1;
	_ =	strace $0x80000049;
	[dreg:$0x1] =	wrdreg $0xFFFFFFFF  }
0xa7: {  	s28 =	simm.s32 $_size_execute0_lowered;
	s3 =	sadd.s32 s3, s5;
	[dreg:$0x0] =	wrdreg $0x0  }
0xa8: {  	s5 =	sshll.u32 s28, $0x1;
	[dreg:$0x2] =	wrdreg s3  }
0xa9: {  	[dreg:$0x3] =	wrdreg s5  }
0xaa: {  	[dreg:$0x4] =	wrdreg $0xC0  }
0xab: {  	_ =	task [dreg:s7], $0x5FFFF  }
0xac: {  	[dreg:$0x1] =	wrdreg $0xFFFFFFFF  }
0xad: {  	[dreg:$0x0] =	wrdreg $0x60  }
0xae: {  	[dreg:$0x2] =	wrdreg s24  }
0xaf: {  	[dreg:$0x3] =	wrdreg s2  }
0xb0: {  	[dreg:$0x4] =	wrdreg $0xB7800  }
0xb1: {  	[dreg:$0x5] =	wrdreg $0x9  }
0xb2: {  	_ =	task.clear_ibuf [dreg:s7], $0x6FFFF;
	_ =	strace $0x90000049  }
0xb3: {  	s29 =	simm.s32 $0x9;
	_ =	strace $0x8000004B  }
0xb4: {  	_ =	swait.ge [sflag:s29], $0x1  }
0xb5: {  	[sflag:s29] =	ssyncadd.s32 $0xFFFFFFFF  }
0xb6: {  	_ =	strace $0x9000004B  }
0xb7: {  	_ =	sfence  }
0xb8: {  	s30 =	sld [smem:$0x0];
	_ =	sdelay $0x2  }
0xb9: {  	s31 =	sshll.u32 s1, $0xD;
	s1 =	sshrl.u32 s1, $0x2  }
0xba: {  	s3 =	sand.u32 $0x4000, s31;
	s1 =	sadd.s32 s1, s30  }
0xbb: {  	s0 =	sor.u32 s3, s0;
	s1 =	sshll.u32 s1, $0x11  }
0xbc: {  	s0 =	sor.u32 s1, s0  }
0xbd: {  	s0 =	sadd.s32 $0x8F2B, s0  }
0xbe: {  	[sflag:s0] =	ssyncadd.remote.s32 $0x1  }
0xbf: {  	_ =	sfence.sel $0xFFFF  }
0xc0: {  	[dreg:$0x0] =	wrdreg $0xFFFFFFFF;
	(pc) =	sbr.abs _section_cstart, $3  }
0xc1: {  	[dreg:$0x1] =	wrdreg $0xFFFFFFFF  }
0xc2: {  	_ =	task.clear_ibuf [dreg:s7], $0x2FFFF;
	_ =	strace $0x9FFFFFFF  }
0xc3: {  	(tm) =	ssettm $0x7FFFFFFF  }
tec
execute0_lowered:
.L_overlay_start_1:
0x0: {  	(tag) =	ssettag $0x1  }
0x1: {  	s6 =	rddreg [dreg:$0x0]  }
0x2: {  	s9 =	rddreg [dreg:$0x1]  }
0x3: {  	s2 =	rddreg [dreg:$0x2]  }
0x4: {  	s0 =	rddreg [dreg:$0x3];
	s3 =	simm.s32 $0x0  }
0x5: {  	s1 =	stileid.u32;
	s7 =	srdreg.scid;
	s16 =	simm.s32 $0x8F80  }
0x6: {  	s17 =	simm.s32 $0x1;
	s18 =	simm.s32 $0x2;
	s19 =	simm.s32 $0x6580  }
0x7: {  	s20 =	simm.s32 $0x0;
	[smem:$0x7FF] =	sst s3;
	s4 =	smul.u32 $0x4E2, s1  }
0x8: {  	s5 =	sshll.u32 s1, $0xB;
	s7 =	sand.u32 $0x1, s7;
	s14 =	smul.u32 $0x50000, s1  }
0x9: {  	s12 =	sadd.s32 $0x3D400, s6;
	s15 =	sadd.s32 $0x8D400, s6;
	s30 =	smul.u32 $0x2800, s1  }
0xa: {  	s31 =	sshll.u32 s1, $0x6;
	_ =	strace $0x8000004A;
	s10 =	sadd.s32 s5, s6  }
0xb: {  	s5 =	sadd.s32 $0x3400, s6;
	s11 =	ssub.s32 $0x2, s7;
	p0 =	seq.s32 s7, $0x0  }
0xc: {  	s8 =	sadd.s32 s4, s6;
	s4 =	sadd.s32 $0x15400, s6;
	s13 =	sshrl.u32 s11, $0x1  }
0xd: {  	s29 =	sshrl.u32 s14, $0x2;
	s7 =	sadd.s32 $0xD400, s10;
	s15 =	smov.u32 @p0 s12  }
0xe: {  	s10 =	simm.s32 $0x3;
	s12 =	sor.u32 $0x1C03, s31;
	s11 =	ssub.s32 s11, s13  }
0xf: {  	s6 =	sadd.s32 $0x8400, s8;
	s14 =	sadd.s32 s29, s2;
	s4 =	smov.u32 @p0 s9  }
0x10: {  	s9 =	sadd.s32 s15, s30;
	s15 =	simm.s32 $0x6780;
	s8 =	smax.u32 s11, $0x1  }
0x11: {  	s11 =	simm.s32 $0x2780;
	s13 =	sshrl.u32 s14, $0x3;
	s14 =	simm.s32 $0x50  }
.LBB2_1:
0x12: {  	[tilespmem:s3], [sflag:$0x3] =	stream.linear.gather [hbm4b:s6+s3], $0x2710, $0x38;
	[tilespmem:$0x1F780] =	vst v63  }
0x13: {  	_ =	swait.ge [sflag:s10], $0x2710  }
0x14: {  	[sflag:s10] =	ssyncset.done $0x0  }
0x15: {  	[sflag:s10] =	ssyncadd.s32 $0xFFFFD8F0  }
0x16: {  	[tilespmem:s11], [sflag:$0x3] =	stream.linear.gather [hbm4b:s7+s3], $0x3E80, $0x38;
	[tilespmem:$0x1F780] =	vst v63  }
0x17: {  	_ =	swait.ge [sflag:s10], $0x3E80  }
0x18: {  	[sflag:s10] =	ssyncset.done $0x0  }
0x19: {  	[sflag:s10] =	ssyncadd.s32 $0xFFFFC180  }
0x1a: {  	[spmem:s13], [sflag:s12] =	dma.local [hbm:s5], $0x2800  }
0x1b: {  	_ =	swait.ge [sflag:s10], $0x2800  }
0x1c: {  	[sflag:s10] =	ssyncset.done $0x0  }
0x1d: {  	[sflag:s10] =	ssyncadd.s32 $0xFFFFD800  }
0x1e: {  	[bflag:$0x0] =	sbarrier.arrive $0xFFFF  }
0x1f: {  	[tilespmem:s15], [sflag:$0x1] =	stream.indirect.gather [hbm4b:s4+s14], $0x80, s3, s14, $0xb8;
	[tilespmem:$0x1F780] =	vst v63  }
0x20: {  	s21 =	simm.s32 $0x50  }
0x21: {  	[tilespmem:s16], [sflag:$0x2] =	stream.indirect.gather [hbm4b:s4+s14], $0x80, s21, s14, $0xb8;
	[tilespmem:$0x1F780] =	vst v63  }
0x22: {  	_ =	swait.ge [sflag:s17], $0x2800  }
0x23: {  	[sflag:s17] =	ssyncset.done $0x0  }
0x24: {  	s29 =	simm.s32 $0x2780;
	[sflag:s17] =	ssyncadd.s32 $0xFFFFD800  }
0x25: {  	[spmem:s2] =	stream.indirect.scatter.add.f32 [tilespmem:s15], [sflag:$0x3], $0x80, s29, s14, $0xb8;
	[tilespmem:$0x1F780] =	vst v63  }
0x26: {  	_ =	swait.ge [sflag:s10], $0x2800  }
0x27: {  	[sflag:s10] =	ssyncset.done $0x0  }
0x28: {  	s30 =	simm.s32 $0xA0;
	[sflag:s10] =	ssyncadd.s32 $0xFFFFD800  }
0x29: {  	[tilespmem:s15], [sflag:$0x1] =	stream.indirect.gather [hbm4b:s4+s14], $0x80, s30, s14, $0xb8;
	[tilespmem:$0x1F780] =	vst v63  }
0x2a: {  	_ =	swait.ge [sflag:s18], $0x2800  }
0x2b: {  	[sflag:s18] =	ssyncset.done $0x0  }
0x2c: {  	s31 =	simm.s32 $0x2800;
	[sflag:s18] =	ssyncadd.s32 $0xFFFFD800  }
0x2d: {  	[spmem:s2] =	stream.indirect.scatter.add.f32 [tilespmem:s16], [sflag:$0x3], $0x80, s31, s14, $0xb8;
	[tilespmem:$0x1F780] =	vst v63  }
0x2e: {  	s22 =	simm.s32 $0x400;
	_ =	swait.ge [sflag:s10], $0x2800  }
0x2f: {  	s23 =	simm.s32 $0x800;
	s21 =	simm.s32 $0x140;
	[sflag:s10] =	ssyncset.done $0x0  }
.LBB2_2:
0x30: {  	p0 =	sne.s32 s23, $0xF400;
	s24 =	sadd.s32 $0xFFFFFFB0, s21;
	[sflag:s10] =	ssyncadd.s32 $0xFFFFD800  }
0x31: {  	[tilespmem:s16], [sflag:$0x2] =	stream.indirect.gather [hbm4b:s4+s14], $0x80, s24, s14, $0xb8;
	[tilespmem:$0x1F780] =	vst v63  }
0x32: {  	s24 =	smov.u32 s23;
	s23 =	sadd.s32 $0x400, s23;
	_ =	swait.ge [sflag:s17], $0x2800  }
0x33: {  	s25 =	sshra.s32 s22, $0x2;
	s22 =	smov.u32 s24;
	[sflag:s17] =	ssyncset.done $0x0  }
0x34: {  	s24 =	sadd.s32 $0x2780, s25;
	[sflag:s17] =	ssyncadd.s32 $0xFFFFD800  }
0x35: {  	[spmem:s2] =	stream.indirect.scatter.add.f32 [tilespmem:s15], [sflag:$0x3], $0x80, s24, s14, $0xb8;
	[tilespmem:$0x1F780] =	vst v63  }
0x36: {  	_ =	swait.ge [sflag:s10], $0x2800  }
0x37: {  	[sflag:s10] =	ssyncset.done $0x0  }
0x38: {  	[sflag:s10] =	ssyncadd.s32 $0xFFFFD800  }
0x39: {  	[tilespmem:s15], [sflag:$0x1] =	stream.indirect.gather [hbm4b:s4+s14], $0x80, s21, s14, $0xb8;
	[tilespmem:$0x1F780] =	vst v63  }
0x3a: {  	_ =	swait.ge [sflag:s18], $0x2800  }
.Ltmp0:
0x3b: {  	[sflag:s18] =	ssyncset.done $0x0;
	(pc) =	sbr.rel @p0 .LBB2_2-.Ltmp0, $4  }
0x3c: {  	s24 =	sadd.s32 $0x2800, s25;
	[sflag:s18] =	ssyncadd.s32 $0xFFFFD800  }
0x3d: {  	[spmem:s2] =	stream.indirect.scatter.add.f32 [tilespmem:s16], [sflag:$0x3], $0x80, s24, s14, $0xb8;
	[tilespmem:$0x1F780] =	vst v63  }
0x3e: {  	_ =	swait.ge [sflag:s10], $0x2800  }
0x3f: {  	s21 =	sadd.s32 $0xA0, s21;
	[sflag:s10] =	ssyncset.done $0x0  }
0x40: {  	s23 =	sadd.s32 $0xFFFFFFB0, s21;
	[sflag:s10] =	ssyncadd.s32 $0xFFFFD800  }
0x41: {  	[tilespmem:s16], [sflag:$0x2] =	stream.indirect.gather [hbm4b:s4+s14], $0x80, s23, s14, $0xb8;
	[tilespmem:$0x1F780] =	vst v63  }
0x42: {  	_ =	swait.ge [sflag:s17], $0x2800  }
0x43: {  	s22 =	sshra.s32 s22, $0x2;
	[sflag:s17] =	ssyncset.done $0x0  }
0x44: {  	s30 =	sadd.s32 $0x2780, s22;
	[sflag:s17] =	ssyncadd.s32 $0xFFFFD800  }
0x45: {  	[spmem:s2] =	stream.indirect.scatter.add.f32 [tilespmem:s15], [sflag:$0x3], $0x80, s30, s14, $0xb8;
	[tilespmem:$0x1F780] =	vst v63  }
0x46: {  	_ =	swait.ge [sflag:s10], $0x2800  }
0x47: {  	[sflag:s10] =	ssyncset.done $0x0  }
0x48: {  	[sflag:s10] =	ssyncadd.s32 $0xFFFFD800  }
0x49: {  	[tilespmem:s15], [sflag:$0x1] =	stream.indirect.gather [hbm4b:s4+s14], $0x80, s21, s14, $0xb8;
	[tilespmem:$0x1F780] =	vst v63  }
0x4a: {  	_ =	swait.ge [sflag:s18], $0x2800  }
0x4b: {  	[sflag:s18] =	ssyncset.done $0x0  }
0x4c: {  	s31 =	sadd.s32 $0x2800, s22;
	[sflag:s18] =	ssyncadd.s32 $0xFFFFD800  }
0x4d: {  	[spmem:s2] =	stream.indirect.scatter.add.f32 [tilespmem:s16], [sflag:$0x3], $0x80, s31, s14, $0xb8;
	[tilespmem:$0x1F780] =	vst v63  }
0x4e: {  	_ =	swait.ge [sflag:s10], $0x2800  }
0x4f: {  	[sflag:s10] =	ssyncset.done $0x0  }
0x50: {  	[sflag:s10] =	ssyncadd.s32 $0xFFFFD800  }
0x51: {  	_ =	swait.ge [sflag:s17], $0x2800  }
0x52: {  	[sflag:s17] =	ssyncset.done $0x0  }
0x53: {  	[sflag:s17] =	ssyncadd.s32 $0xFFFFD800  }
0x54: {  	[spmem:s2] =	stream.indirect.scatter.add.f32 [tilespmem:s15], [sflag:$0x3], $0x80, s19, s14, $0xb8;
	[tilespmem:$0x1F780] =	vst v63  }
0x55: {  	_ =	swait.ge [sflag:s10], $0x2800  }
0x56: {  	s20 =	sadd.s32 $0x1, s20;
	[sflag:s10] =	ssyncset.done $0x0  }
0x57: {  	p0 =	sne.s32 s20, s8;
	[sflag:s10] =	ssyncadd.s32 $0xFFFFD800  }
.Ltmp1:
0x58: {  	[bflag:$0x0] =	sbarrier.arrive $0xFFFF;
	(pc) =	sbr.rel @p0 .LBB2_1-.Ltmp1, $4  }
0x59: {  	[hbm:s9], [sflag:s12] =	dma.local [spmem:s13], $0x2800  }
0x5a: {  	_ =	swait.ge [sflag:s10], $0x2800  }
0x5b: {  	[sflag:s10] =	ssyncset.done $0x0  }
0x5c: {  	[sflag:s10] =	ssyncadd.s32 $0xFFFFD800  }
0x5d: {  	_ =	sfence.sel $0x180000  }
0x5e: {  	[bflag:$0x0] =	sbarrier.arrive $0xFFFF  }
0x5f: {  	p0 =	sne.s32 s1, $0x0;
	_ =	strace $0x9000004A  }
0x60: {  	s0 =	sadd.s32 @!p0 $0x100000, s0;
	[bflag:$0x2] =	sbarrier.arrive $0xFFFF  }
0x61: {  	[sflag:s0] =	ssyncadd.tile.s32 @!p0 $0x1;
	_ =	shalt  }
.Lfunc_end2:
_tile_overlayer_lowered:
.L_overlay_start_2:
0x62: {  	(tag) =	ssettag $0x2  }
0x63: {  	s0 =	rddreg [dreg:$0x0];
	s2 =	stileid.u32  }
0x64: {  	s1 =	rddreg [dreg:$0x1];
	p0 =	sne.s32 s2, $0x0  }
0x65: {  	s3 =	rddreg [dreg:$0x2];
	[bflag:$0x3] =	sbarrier.arrive $0xFFFF;
	s2 =	simm.s32 @!p0 $0x1C03  }
0x66: {  	[timem:s3], [sflag:s2] =	dma.local @!p0 [hbm:s0], s1  }
0x67: {  	s0 =	simm.s32 @!p0 $0x3  }
0x68: {  	_ =	swait.ge @!p0 [sflag:s0], s1  }
0x69: {  	s1 =	ssub.s32 @!p0 $0x0, s1;
	[sflag:s0] =	ssyncset.done @!p0 $0x0  }
0x6a: {  	[sflag:s0] =	ssyncadd.s32 @!p0 s1  }
0x6b: {  	[bflag:$0x3] =	sbarrier.arrive $0xFFFF  }
0x6c: {  	_ =	shalt  }

// kernel: kernel.14.cloned.1.call-start
scs
__scs_entry_jumppad:
0x0: {  	(pc) =	sbr.rel $0x88, $3  }
0x1: {  	(tag) =	ssettag $0x0;
	lr =	simm.s32 $0x1  }
0x2: {  	[smem:$0x3F9B] =	sst lr;
	_ =	strace $0xD0000000  }
0x3: {  	_ = 	snop  }
0x4: {  	_ = 	snop  }
0x5: {  	_ = 	snop  }
0x6: {  	_ = 	snop  }
0x7: {  	_ = 	snop  }
__scs_overlays_trampoline_lowered:
0x8: {  	[smem:$0x3FAA] =	sst s0  }
0x9: {  	[smem:$0x3FAB] =	sst s1  }
0xa: {  	[smem:$0x3FAC] =	sst s2  }
0xb: {  	[smem:$0x3FAD] =	sst s3  }
0xc: {  	[smem:$0x3FAE] =	sst s4  }
0xd: {  	[smem:$0x3FAF] =	sst s5  }
0xe: {  	[smem:$0x3FB0] =	sst s6  }
0xf: {  	[smem:$0x3FB1] =	sst s7  }
0x10: {  	[smem:$0x3FB2] =	sst s8  }
0x11: {  	[smem:$0x3FB3] =	sst s9;
	s0 =	simm.s32 @!p0 $0x0  }
0x12: {  	s1 =	sld [smem:$0x3F99];
	s0 =	simm.s32 @p0 $0x1  }
0x13: {  	[smem:$0x3FB4] =	sst s0;
	s0 =	simm.s32 @!p1 $0x0  }
0x14: {  	s2 =	sld [smem:$0x3F98];
	s0 =	simm.s32 @p1 $0x1  }
0x15: {  	[smem:$0x3FB5] =	sst s0;
	s0 =	simm.s32 @!p2 $0x0  }
0x16: {  	s3 =	sld [smem:$0x3FDB];
	s0 =	simm.s32 @p2 $0x1  }
0x17: {  	s4 =	simm.s32 $0x1BF5;
	[smem:$0x3FB7] =	sst s0  }
0x18: {  	s0 =	sld [smem:$0x3F9A];
	_ =	swait.ge [sflag:s4], $0x0  }
0x19: {  	s7 =	sld [smem:$0x3F9B]  }
0x1a: {  	s8 =	sadd.s32 $0xFFFFE003, lr  }
0x1b: {  	s9 =	sadd.s32 $0xFFFFFEF7, lr;
	s5 =	simm.s32 $0xFFFFFFFF;
	p2 =	slt.u32 s8, $0xFFFFF086  }
0x1c: {  	p1 =	slt.u32 s9, $0xF7A;
	s5 =	simm.s32 @!p2 $0x0  }
0x1d: {  	s5 =	simm.s32 @p1 $0x1;
	p0 =	seq.s32 s7, s2  }
0x1e: {  	s7 =	smul.u32 @!p0 $0xF7A, s2;
	p2 =	seq.s32 @!p0 s5, $0x0  }
0x1f: {  	s9 =	smul.u32 $0xF7A, s1;
	s8 =	simm.s32 @!p0 $0x1BF5;
	p2 =	por !p2, p0  }
0x20: {  	[sflag:s8] =	ssyncset.s32 @!p0 $0xFFFFF086;
	s6 =	sadd.s32 @!p0 s3, s7;
	s7 =	simm.s32 @!p0 $0x108  }
0x21: {  	s3 =	sadd.s32 s3, s9;
	s6 =	sadd.s32 @!p0 $0x88, s6;
	s7 =	simm.s32 @p2 $0x1082  }
0x22: {  	[simem:s7], [sflag:s8] =	dma.local @!p0 [hbm:s6], $0xF7A  }
0x23: {  	s9 =	sor.u32 $0xD0000000, s2;
	s6 =	simm.s32 $0x108;
	_ =	swait.ge @!p0 [sflag:s8], $0x0  }
0x24: {  	s3 =	sadd.s32 $0x88, s3;
	s6 =	simm.s32 @!p1 $0x1082;
	[sflag:s4] =	ssyncset.s32 $0xFFFFF086  }
0x25: {  	[simem:s6], [sflag:s4] =	dma.local [hbm:s3], $0xF7A  }
0x26: {  	[smem:$0x3F9B] =	sst s1;
	(tag) =	ssettag s2;
	_ =	strace s9  }
0x27: {  	s1 =	sld [smem:$0x3FAB]  }
0x28: {  	s2 =	sld [smem:$0x3FAC]  }
0x29: {  	s4 =	sld [smem:$0x3FAE]  }
0x2a: {  	p0 =	seq.s32 s5, $0x0;
	s5 =	sld [smem:$0x3FAF]  }
0x2b: {  	s6 =	sld [smem:$0x3FB0]  }
0x2c: {  	s7 =	sld [smem:$0x3FB1]  }
0x2d: {  	s3 =	simm.s32 $0x108;
	s8 =	sld [smem:$0x3FB2]  }
0x2e: {  	s3 =	simm.s32 @!p0 $0x1082;
	s9 =	sld [smem:$0x3FB3]  }
0x2f: {  	lr =	sadd.s32 s0, s3;
	s0 =	sld [smem:$0x3FAA]  }
0x30: {  	s3 =	sld [smem:$0x3FAD]  }
0x31: {  	[smem:$0x3FB6] =	sst s10  }
0x32: {  	s10 =	sld [smem:$0x3FB4];
	_ =	sdelay $0x3  }
0x33: {  	p0 =	seq.s32 s10, $0x1;
	s10 =	sld [smem:$0x3FB6];
	_ =	sdelay $0x3  }
0x34: {  	[smem:$0x3FB6] =	sst s10  }
0x35: {  	s10 =	sld [smem:$0x3FB5];
	_ =	sdelay $0x3  }
0x36: {  	p1 =	seq.s32 s10, $0x1;
	s10 =	sld [smem:$0x3FB6];
	_ =	sdelay $0x3  }
0x37: {  	[smem:$0x3FB6] =	sst s10  }
0x38: {  	s10 =	sld [smem:$0x3FB7]  }
0x39: {  	_ = 	snop;
	(pc) =	sbr.ind lr, $3  }
0x3a: {  	_ = 	snop  }
0x3b: {  	_ = 	snop  }
0x3c: {  	p2 =	seq.s32 s10, $0x1;
	s10 =	sld [smem:$0x3FB6]  }
0x3d: {  	_ =	shalt  }
0x3e: {  	_ =	shalt  }
0x3f: {  	_ =	shalt  }
0x40: {  	_ =	shalt  }
0x41: {  	_ =	shalt  }
0x42: {  	_ =	shalt  }
0x43: {  	_ =	shalt  }
0x44: {  	_ =	shalt  }
0x45: {  	_ =	shalt  }
0x46: {  	_ =	shalt  }
0x47: {  	_ =	shalt  }
0x48: {  	_ =	shalt  }
0x49: {  	_ =	shalt  }
0x4a: {  	_ =	shalt  }
0x4b: {  	_ =	shalt  }
0x4c: {  	_ =	shalt  }
0x4d: {  	_ =	shalt  }
0x4e: {  	_ =	shalt  }
0x4f: {  	_ =	shalt  }
0x50: {  	_ =	shalt  }
0x51: {  	_ =	shalt  }
0x52: {  	_ =	shalt  }
0x53: {  	_ =	shalt  }
0x54: {  	_ =	shalt  }
0x55: {  	_ =	shalt  }
0x56: {  	_ =	shalt  }
0x57: {  	_ =	shalt  }
0x58: {  	_ =	shalt  }
0x59: {  	_ =	shalt  }
0x5a: {  	_ =	shalt  }
0x5b: {  	_ =	shalt  }
0x5c: {  	_ =	shalt  }
0x5d: {  	_ =	shalt  }
0x5e: {  	_ =	shalt  }
0x5f: {  	_ =	shalt  }
0x60: {  	_ =	shalt  }
0x61: {  	_ =	shalt  }
0x62: {  	_ =	shalt  }
0x63: {  	_ =	shalt  }
0x64: {  	_ =	shalt  }
0x65: {  	_ =	shalt  }
0x66: {  	_ =	shalt  }
0x67: {  	_ =	shalt  }
0x68: {  	_ =	shalt  }
0x69: {  	_ =	shalt  }
0x6a: {  	_ =	shalt  }
0x6b: {  	_ =	shalt  }
0x6c: {  	_ =	shalt  }
0x6d: {  	_ =	shalt  }
0x6e: {  	_ =	shalt  }
0x6f: {  	_ =	shalt  }
0x70: {  	_ =	shalt  }
0x71: {  	_ =	shalt  }
0x72: {  	_ =	shalt  }
0x73: {  	_ =	shalt  }
0x74: {  	_ =	shalt  }
0x75: {  	_ =	shalt  }
0x76: {  	_ =	shalt  }
0x77: {  	_ =	shalt  }
0x78: {  	_ =	shalt  }
0x79: {  	_ =	shalt  }
0x7a: {  	_ =	shalt  }
0x7b: {  	_ =	shalt  }
0x7c: {  	_ =	shalt  }
0x7d: {  	_ =	shalt  }
0x7e: {  	_ =	shalt  }
0x7f: {  	_ =	shalt  }
0x80: {  	_ =	shalt  }
0x81: {  	_ =	shalt  }
0x82: {  	_ =	shalt  }
0x83: {  	_ =	shalt  }
0x84: {  	_ =	shalt  }
0x85: {  	_ =	shalt  }
0x86: {  	_ =	shalt  }
0x87: {  	_ =	shalt  }
.Lfunc_end0:
.L_simem_size_0:
called_computation.2_lowered:
.L_overlay_start_0:
0x88: {  	s2 =	sld [smem:$0x3FD9]  }
0x89: {  	s3 =	sld [smem:$0x3FFE];
	_ =	sdelay $0x1  }
0x8a: {  	s1 =	srdreg.scid  }
0x8b: {  	s0 =	sand.u32 $0x1, s1  }
0x8c: {  	s17 =	sshll.u32 s0, $0xA;
	s2 =	sadd.s32 s3, s2  }
0x8d: {  	s2 =	sadd.s32 s2, s17  }
0x8e: {  	[smem:$0x3FC2] =	sst s2  }
0x8f: {  	_ = 	snop  }
0x90: {  	s2 =	sld [smem:$0x3FD0];
	(tm) =	ssettm $0x1  }
0x91: {  	s18 =	sld [smem:$0x3FFB];
	_ =	sdelay $0x3  }
0x92: {  	_ =	strace s18  }
0x93: {  	s3 =	sld [smem:$0x3FFC];
	_ =	sdelay $0x3  }
0x94: {  	_ =	strace s3  }
0x95: {  	s3 =	sld [smem:$0x3FFD];
	_ =	sdelay $0x3  }
0x96: {  	_ =	strace s3  }
0x97: {  	_ =	strace $0x8FFFFFFF  }
0x98: {  	s19 =	sld [smem:$0x3FDB];
	_ =	sdelay $0x1  }
0x99: {  	s4 =	simm.s32 $_scs_section_size  }
0x9a: {  	s5 =	simm.s32 $_size__tile_overlayer_lowered;
	s6 =	simm.s32 $_tile_overlayer_lowered  }
0x9b: {  	s22 =	simm.s32 $0x1BFF;
	s21 =	sshll.u32 s6, $0x1;
	s3 =	sadd.s32 s4, s19  }
0x9c: {  	s7 =	simm.s32 $0x0;
	s20 =	sshll.u32 s5, $0x1;
	s5 =	sadd.s32 s21, s3  }
0x9d: {  	[timem:s7], [sflag:s22] =	dma.local [hbm:s5], s20  }
0x9e: {  	_ =	swait.ge [sflag:s22], s20  }
0x9f: {  	s4 =	ssub.s32 $0x0, s20;
	[sflag:s22] =	ssyncset.done $0x0  }
0xa0: {  	[sflag:s22] =	ssyncadd.s32 s4;
	_ =	sdelay $0x1  }
0xa1: {  	s23 =	simm.s32 $0x1B8B  }
0xa2: {  	_ =	swait.ge [sflag:s23], $0x1  }
0xa3: {  	[sflag:s23] =	ssyncset.done $0x0  }
0xa4: {  	s25 =	simm.s32 $0x1B8E;
	s24 =	sld [smem:$0x3FFE];
	[sflag:s23] =	ssyncadd.s32 $0xFFFFFFFF  }
0xa5: {  	s26 =	simm.s32 $execute0_lowered;
	[smem:$0x3FD2] =	sst s25  }
0xa6: {  	s5 =	sshll.u32 s26, $0x1;
	_ =	strace $0x8000004C;
	[dreg:$0x1] =	wrdreg $0xFFFFFFFF  }
0xa7: {  	s28 =	simm.s32 $_size_execute0_lowered;
	s3 =	sadd.s32 s3, s5;
	[dreg:$0x0] =	wrdreg $0x0  }
0xa8: {  	s5 =	sshll.u32 s28, $0x1;
	[dreg:$0x2] =	wrdreg s3  }
0xa9: {  	[dreg:$0x3] =	wrdreg s5  }
0xaa: {  	[dreg:$0x4] =	wrdreg $0xC0  }
0xab: {  	_ =	task [dreg:s7], $0x5FFFF  }
0xac: {  	[dreg:$0x1] =	wrdreg $0xFFFFFFFF  }
0xad: {  	[dreg:$0x0] =	wrdreg $0x60  }
0xae: {  	[dreg:$0x2] =	wrdreg s24  }
0xaf: {  	[dreg:$0x3] =	wrdreg s2  }
0xb0: {  	[dreg:$0x4] =	wrdreg $0xB7800  }
0xb1: {  	[dreg:$0x5] =	wrdreg $0x9  }
0xb2: {  	_ =	task.clear_ibuf [dreg:s7], $0x6FFFF;
	_ =	strace $0x9000004C  }
0xb3: {  	s29 =	simm.s32 $0x9;
	_ =	strace $0x8000004E  }
0xb4: {  	_ =	swait.ge [sflag:s29], $0x1  }
0xb5: {  	[sflag:s29] =	ssyncadd.s32 $0xFFFFFFFF  }
0xb6: {  	_ =	strace $0x9000004E  }
0xb7: {  	_ =	sfence  }
0xb8: {  	s30 =	sld [smem:$0x0];
	_ =	sdelay $0x2  }
0xb9: {  	s31 =	sshll.u32 s1, $0xD;
	s1 =	sshrl.u32 s1, $0x2  }
0xba: {  	s3 =	sand.u32 $0x4000, s31;
	s1 =	sadd.s32 s1, s30  }
0xbb: {  	s0 =	sor.u32 s3, s0;
	s1 =	sshll.u32 s1, $0x11  }
0xbc: {  	s0 =	sor.u32 s1, s0  }
0xbd: {  	s0 =	sadd.s32 $0x8F2B, s0  }
0xbe: {  	[sflag:s0] =	ssyncadd.remote.s32 $0x1  }
0xbf: {  	_ =	sfence.sel $0xFFFF  }
0xc0: {  	[dreg:$0x0] =	wrdreg $0xFFFFFFFF;
	(pc) =	sbr.abs _section_cstart, $3  }
0xc1: {  	[dreg:$0x1] =	wrdreg $0xFFFFFFFF  }
0xc2: {  	_ =	task.clear_ibuf [dreg:s7], $0x2FFFF;
	_ =	strace $0x9FFFFFFF  }
0xc3: {  	(tm) =	ssettm $0x7FFFFFFF  }
tec
execute0_lowered:
.L_overlay_start_1:
0x0: {  	(tag) =	ssettag $0x1  }
0x1: {  	s6 =	rddreg [dreg:$0x0]  }
0x2: {  	s9 =	rddreg [dreg:$0x1]  }
0x3: {  	s2 =	rddreg [dreg:$0x2]  }
0x4: {  	s0 =	rddreg [dreg:$0x3];
	s3 =	simm.s32 $0x0  }
0x5: {  	s1 =	stileid.u32;
	s7 =	srdreg.scid;
	s16 =	simm.s32 $0x8F80  }
0x6: {  	s17 =	simm.s32 $0x1;
	s18 =	simm.s32 $0x2;
	s19 =	simm.s32 $0x6580  }
0x7: {  	s20 =	simm.s32 $0x0;
	[smem:$0x7FF] =	sst s3;
	s4 =	smul.u32 $0x4E2, s1  }
0x8: {  	s5 =	sshll.u32 s1, $0xB;
	s7 =	sand.u32 $0x1, s7;
	s14 =	smul.u32 $0x50000, s1  }
0x9: {  	s12 =	sadd.s32 $0x3D400, s6;
	s15 =	sadd.s32 $0x8D400, s6;
	s30 =	smul.u32 $0x2800, s1  }
0xa: {  	s31 =	sshll.u32 s1, $0x6;
	_ =	strace $0x8000004D;
	s10 =	sadd.s32 s5, s6  }
0xb: {  	s5 =	sadd.s32 $0x3400, s6;
	s11 =	ssub.s32 $0x2, s7;
	p0 =	seq.s32 s7, $0x0  }
0xc: {  	s8 =	sadd.s32 s4, s6;
	s4 =	sadd.s32 $0x15400, s6;
	s13 =	sshrl.u32 s11, $0x1  }
0xd: {  	s29 =	sshrl.u32 s14, $0x2;
	s7 =	sadd.s32 $0xD400, s10;
	s15 =	smov.u32 @p0 s12  }
0xe: {  	s10 =	simm.s32 $0x3;
	s12 =	sor.u32 $0x1C03, s31;
	s11 =	ssub.s32 s11, s13  }
0xf: {  	s6 =	sadd.s32 $0x8400, s8;
	s14 =	sadd.s32 s29, s2;
	s4 =	smov.u32 @p0 s9  }
0x10: {  	s9 =	sadd.s32 s15, s30;
	s15 =	simm.s32 $0x6780;
	s8 =	smax.u32 s11, $0x1  }
0x11: {  	s11 =	simm.s32 $0x2780;
	s13 =	sshrl.u32 s14, $0x3;
	s14 =	simm.s32 $0x50  }
.LBB2_1:
0x12: {  	[tilespmem:s3], [sflag:$0x3] =	stream.linear.gather [hbm4b:s6+s3], $0x2710, $0x38;
	[tilespmem:$0x1F780] =	vst v63  }
0x13: {  	_ =	swait.ge [sflag:s10], $0x2710  }
0x14: {  	[sflag:s10] =	ssyncset.done $0x0  }
0x15: {  	[sflag:s10] =	ssyncadd.s32 $0xFFFFD8F0  }
0x16: {  	[tilespmem:s11], [sflag:$0x3] =	stream.linear.gather [hbm4b:s7+s3], $0x3E80, $0x38;
	[tilespmem:$0x1F780] =	vst v63  }
0x17: {  	_ =	swait.ge [sflag:s10], $0x3E80  }
0x18: {  	[sflag:s10] =	ssyncset.done $0x0  }
0x19: {  	[sflag:s10] =	ssyncadd.s32 $0xFFFFC180  }
0x1a: {  	[spmem:s13], [sflag:s12] =	dma.local [hbm:s5], $0x2800  }
0x1b: {  	_ =	swait.ge [sflag:s10], $0x2800  }
0x1c: {  	[sflag:s10] =	ssyncset.done $0x0  }
0x1d: {  	[sflag:s10] =	ssyncadd.s32 $0xFFFFD800  }
0x1e: {  	[bflag:$0x0] =	sbarrier.arrive $0xFFFF  }
0x1f: {  	[tilespmem:s15], [sflag:$0x1] =	stream.indirect.gather [hbm4b:s4+s14], $0x80, s3, s14, $0xb8;
	[tilespmem:$0x1F780] =	vst v63  }
0x20: {  	s21 =	simm.s32 $0x50  }
0x21: {  	[tilespmem:s16], [sflag:$0x2] =	stream.indirect.gather [hbm4b:s4+s14], $0x80, s21, s14, $0xb8;
	[tilespmem:$0x1F780] =	vst v63  }
0x22: {  	_ =	swait.ge [sflag:s17], $0x2800  }
0x23: {  	[sflag:s17] =	ssyncset.done $0x0  }
0x24: {  	s29 =	simm.s32 $0x2780;
	[sflag:s17] =	ssyncadd.s32 $0xFFFFD800  }
0x25: {  	[spmem:s2] =	stream.indirect.scatter.add.f32 [tilespmem:s15], [sflag:$0x3], $0x80, s29, s14, $0xb8;
	[tilespmem:$0x1F780] =	vst v63  }
0x26: {  	_ =	swait.ge [sflag:s10], $0x2800  }
0x27: {  	[sflag:s10] =	ssyncset.done $0x0  }
0x28: {  	s30 =	simm.s32 $0xA0;
	[sflag:s10] =	ssyncadd.s32 $0xFFFFD800  }
0x29: {  	[tilespmem:s15], [sflag:$0x1] =	stream.indirect.gather [hbm4b:s4+s14], $0x80, s30, s14, $0xb8;
	[tilespmem:$0x1F780] =	vst v63  }
0x2a: {  	_ =	swait.ge [sflag:s18], $0x2800  }
0x2b: {  	[sflag:s18] =	ssyncset.done $0x0  }
0x2c: {  	s31 =	simm.s32 $0x2800;
	[sflag:s18] =	ssyncadd.s32 $0xFFFFD800  }
0x2d: {  	[spmem:s2] =	stream.indirect.scatter.add.f32 [tilespmem:s16], [sflag:$0x3], $0x80, s31, s14, $0xb8;
	[tilespmem:$0x1F780] =	vst v63  }
0x2e: {  	s22 =	simm.s32 $0x400;
	_ =	swait.ge [sflag:s10], $0x2800  }
0x2f: {  	s23 =	simm.s32 $0x800;
	s21 =	simm.s32 $0x140;
	[sflag:s10] =	ssyncset.done $0x0  }
.LBB2_2:
0x30: {  	p0 =	sne.s32 s23, $0xF400;
	s24 =	sadd.s32 $0xFFFFFFB0, s21;
	[sflag:s10] =	ssyncadd.s32 $0xFFFFD800  }
0x31: {  	[tilespmem:s16], [sflag:$0x2] =	stream.indirect.gather [hbm4b:s4+s14], $0x80, s24, s14, $0xb8;
	[tilespmem:$0x1F780] =	vst v63  }
0x32: {  	s24 =	smov.u32 s23;
	s23 =	sadd.s32 $0x400, s23;
	_ =	swait.ge [sflag:s17], $0x2800  }
0x33: {  	s25 =	sshra.s32 s22, $0x2;
	s22 =	smov.u32 s24;
	[sflag:s17] =	ssyncset.done $0x0  }
0x34: {  	s24 =	sadd.s32 $0x2780, s25;
	[sflag:s17] =	ssyncadd.s32 $0xFFFFD800  }
0x35: {  	[spmem:s2] =	stream.indirect.scatter.add.f32 [tilespmem:s15], [sflag:$0x3], $0x80, s24, s14, $0xb8;
	[tilespmem:$0x1F780] =	vst v63  }
0x36: {  	_ =	swait.ge [sflag:s10], $0x2800  }
0x37: {  	[sflag:s10] =	ssyncset.done $0x0  }
0x38: {  	[sflag:s10] =	ssyncadd.s32 $0xFFFFD800  }
0x39: {  	[tilespmem:s15], [sflag:$0x1] =	stream.indirect.gather [hbm4b:s4+s14], $0x80, s21, s14, $0xb8;
	[tilespmem:$0x1F780] =	vst v63  }
0x3a: {  	_ =	swait.ge [sflag:s18], $0x2800  }
.Ltmp0:
0x3b: {  	[sflag:s18] =	ssyncset.done $0x0;
	(pc) =	sbr.rel @p0 .LBB2_2-.Ltmp0, $4  }
0x3c: {  	s24 =	sadd.s32 $0x2800, s25;
	[sflag:s18] =	ssyncadd.s32 $0xFFFFD800  }
0x3d: {  	[spmem:s2] =	stream.indirect.scatter.add.f32 [tilespmem:s16], [sflag:$0x3], $0x80, s24, s14, $0xb8;
	[tilespmem:$0x1F780] =	vst v63  }
0x3e: {  	_ =	swait.ge [sflag:s10], $0x2800  }
0x3f: {  	s21 =	sadd.s32 $0xA0, s21;
	[sflag:s10] =	ssyncset.done $0x0  }
0x40: {  	s23 =	sadd.s32 $0xFFFFFFB0, s21;
	[sflag:s10] =	ssyncadd.s32 $0xFFFFD800  }
0x41: {  	[tilespmem:s16], [sflag:$0x2] =	stream.indirect.gather [hbm4b:s4+s14], $0x80, s23, s14, $0xb8;
	[tilespmem:$0x1F780] =	vst v63  }
0x42: {  	_ =	swait.ge [sflag:s17], $0x2800  }
0x43: {  	s22 =	sshra.s32 s22, $0x2;
	[sflag:s17] =	ssyncset.done $0x0  }
0x44: {  	s30 =	sadd.s32 $0x2780, s22;
	[sflag:s17] =	ssyncadd.s32 $0xFFFFD800  }
0x45: {  	[spmem:s2] =	stream.indirect.scatter.add.f32 [tilespmem:s15], [sflag:$0x3], $0x80, s30, s14, $0xb8;
	[tilespmem:$0x1F780] =	vst v63  }
0x46: {  	_ =	swait.ge [sflag:s10], $0x2800  }
0x47: {  	[sflag:s10] =	ssyncset.done $0x0  }
0x48: {  	[sflag:s10] =	ssyncadd.s32 $0xFFFFD800  }
0x49: {  	[tilespmem:s15], [sflag:$0x1] =	stream.indirect.gather [hbm4b:s4+s14], $0x80, s21, s14, $0xb8;
	[tilespmem:$0x1F780] =	vst v63  }
0x4a: {  	_ =	swait.ge [sflag:s18], $0x2800  }
0x4b: {  	[sflag:s18] =	ssyncset.done $0x0  }
0x4c: {  	s31 =	sadd.s32 $0x2800, s22;
	[sflag:s18] =	ssyncadd.s32 $0xFFFFD800  }
0x4d: {  	[spmem:s2] =	stream.indirect.scatter.add.f32 [tilespmem:s16], [sflag:$0x3], $0x80, s31, s14, $0xb8;
	[tilespmem:$0x1F780] =	vst v63  }
0x4e: {  	_ =	swait.ge [sflag:s10], $0x2800  }
0x4f: {  	[sflag:s10] =	ssyncset.done $0x0  }
0x50: {  	[sflag:s10] =	ssyncadd.s32 $0xFFFFD800  }
0x51: {  	_ =	swait.ge [sflag:s17], $0x2800  }
0x52: {  	[sflag:s17] =	ssyncset.done $0x0  }
0x53: {  	[sflag:s17] =	ssyncadd.s32 $0xFFFFD800  }
0x54: {  	[spmem:s2] =	stream.indirect.scatter.add.f32 [tilespmem:s15], [sflag:$0x3], $0x80, s19, s14, $0xb8;
	[tilespmem:$0x1F780] =	vst v63  }
0x55: {  	_ =	swait.ge [sflag:s10], $0x2800  }
0x56: {  	s20 =	sadd.s32 $0x1, s20;
	[sflag:s10] =	ssyncset.done $0x0  }
0x57: {  	p0 =	sne.s32 s20, s8;
	[sflag:s10] =	ssyncadd.s32 $0xFFFFD800  }
.Ltmp1:
0x58: {  	[bflag:$0x0] =	sbarrier.arrive $0xFFFF;
	(pc) =	sbr.rel @p0 .LBB2_1-.Ltmp1, $4  }
0x59: {  	[hbm:s9], [sflag:s12] =	dma.local [spmem:s13], $0x2800  }
0x5a: {  	_ =	swait.ge [sflag:s10], $0x2800  }
0x5b: {  	[sflag:s10] =	ssyncset.done $0x0  }
0x5c: {  	[sflag:s10] =	ssyncadd.s32 $0xFFFFD800  }
0x5d: {  	_ =	sfence.sel $0x180000  }
0x5e: {  	[bflag:$0x0] =	sbarrier.arrive $0xFFFF  }
0x5f: {  	p0 =	sne.s32 s1, $0x0;
	_ =	strace $0x9000004D  }
0x60: {  	s0 =	sadd.s32 @!p0 $0x100000, s0;
	[bflag:$0x2] =	sbarrier.arrive $0xFFFF  }
0x61: {  	[sflag:s0] =	ssyncadd.tile.s32 @!p0 $0x1;
	_ =	shalt  }
.Lfunc_end2:
_tile_overlayer_lowered:
.L_overlay_start_2:
0x62: {  	(tag) =	ssettag $0x2  }
0x63: {  	s0 =	rddreg [dreg:$0x0];
	s2 =	stileid.u32  }
0x64: {  	s1 =	rddreg [dreg:$0x1];
	p0 =	sne.s32 s2, $0x0  }
0x65: {  	s3 =	rddreg [dreg:$0x2];
	[bflag:$0x3] =	sbarrier.arrive $0xFFFF;
	s2 =	simm.s32 @!p0 $0x1C03  }
0x66: {  	[timem:s3], [sflag:s2] =	dma.local @!p0 [hbm:s0], s1  }
0x67: {  	s0 =	simm.s32 @!p0 $0x3  }
0x68: {  	_ =	swait.ge @!p0 [sflag:s0], s1  }
0x69: {  	s1 =	ssub.s32 @!p0 $0x0, s1;
	[sflag:s0] =	ssyncset.done @!p0 $0x0  }
0x6a: {  	[sflag:s0] =	ssyncadd.s32 @!p0 s1  }
0x6b: {  	[bflag:$0x3] =	sbarrier.arrive $0xFFFF  }
0x6c: {  	_ =	shalt  }

// kernel: kernel.8.cloned.1.call-start
scs
__scs_entry_jumppad:
0x0: {  	(pc) =	sbr.rel $0x88, $3  }
0x1: {  	(tag) =	ssettag $0x0;
	lr =	simm.s32 $0x1  }
0x2: {  	[smem:$0x3F9B] =	sst lr;
	_ =	strace $0xD0000000  }
0x3: {  	_ = 	snop  }
0x4: {  	_ = 	snop  }
0x5: {  	_ = 	snop  }
0x6: {  	_ = 	snop  }
0x7: {  	_ = 	snop  }
__scs_overlays_trampoline_lowered:
0x8: {  	[smem:$0x3FAA] =	sst s0  }
0x9: {  	[smem:$0x3FAB] =	sst s1  }
0xa: {  	[smem:$0x3FAC] =	sst s2  }
0xb: {  	[smem:$0x3FAD] =	sst s3  }
0xc: {  	[smem:$0x3FAE] =	sst s4  }
0xd: {  	[smem:$0x3FAF] =	sst s5  }
0xe: {  	[smem:$0x3FB0] =	sst s6  }
0xf: {  	[smem:$0x3FB1] =	sst s7  }
0x10: {  	[smem:$0x3FB2] =	sst s8  }
0x11: {  	[smem:$0x3FB3] =	sst s9;
	s0 =	simm.s32 @!p0 $0x0  }
0x12: {  	s1 =	sld [smem:$0x3F99];
	s0 =	simm.s32 @p0 $0x1  }
0x13: {  	[smem:$0x3FB4] =	sst s0;
	s0 =	simm.s32 @!p1 $0x0  }
0x14: {  	s2 =	sld [smem:$0x3F98];
	s0 =	simm.s32 @p1 $0x1  }
0x15: {  	[smem:$0x3FB5] =	sst s0;
	s0 =	simm.s32 @!p2 $0x0  }
0x16: {  	s3 =	sld [smem:$0x3FDB];
	s0 =	simm.s32 @p2 $0x1  }
0x17: {  	s4 =	simm.s32 $0x1BF5;
	[smem:$0x3FB7] =	sst s0  }
0x18: {  	s0 =	sld [smem:$0x3F9A];
	_ =	swait.ge [sflag:s4], $0x0  }
0x19: {  	s7 =	sld [smem:$0x3F9B]  }
0x1a: {  	s8 =	sadd.s32 $0xFFFFE003, lr  }
0x1b: {  	s9 =	sadd.s32 $0xFFFFFEF7, lr;
	s5 =	simm.s32 $0xFFFFFFFF;
	p2 =	slt.u32 s8, $0xFFFFF086  }
0x1c: {  	p1 =	slt.u32 s9, $0xF7A;
	s5 =	simm.s32 @!p2 $0x0  }
0x1d: {  	s5 =	simm.s32 @p1 $0x1;
	p0 =	seq.s32 s7, s2  }
0x1e: {  	s7 =	smul.u32 @!p0 $0xF7A, s2;
	p2 =	seq.s32 @!p0 s5, $0x0  }
0x1f: {  	s9 =	smul.u32 $0xF7A, s1;
	s8 =	simm.s32 @!p0 $0x1BF5;
	p2 =	por !p2, p0  }
0x20: {  	[sflag:s8] =	ssyncset.s32 @!p0 $0xFFFFF086;
	s6 =	sadd.s32 @!p0 s3, s7;
	s7 =	simm.s32 @!p0 $0x108  }
0x21: {  	s3 =	sadd.s32 s3, s9;
	s6 =	sadd.s32 @!p0 $0x88, s6;
	s7 =	simm.s32 @p2 $0x1082  }
0x22: {  	[simem:s7], [sflag:s8] =	dma.local @!p0 [hbm:s6], $0xF7A  }
0x23: {  	s9 =	sor.u32 $0xD0000000, s2;
	s6 =	simm.s32 $0x108;
	_ =	swait.ge @!p0 [sflag:s8], $0x0  }
0x24: {  	s3 =	sadd.s32 $0x88, s3;
	s6 =	simm.s32 @!p1 $0x1082;
	[sflag:s4] =	ssyncset.s32 $0xFFFFF086  }
0x25: {  	[simem:s6], [sflag:s4] =	dma.local [hbm:s3], $0xF7A  }
0x26: {  	[smem:$0x3F9B] =	sst s1;
	(tag) =	ssettag s2;
	_ =	strace s9  }
0x27: {  	s1 =	sld [smem:$0x3FAB]  }
0x28: {  	s2 =	sld [smem:$0x3FAC]  }
0x29: {  	s4 =	sld [smem:$0x3FAE]  }
0x2a: {  	p0 =	seq.s32 s5, $0x0;
	s5 =	sld [smem:$0x3FAF]  }
0x2b: {  	s6 =	sld [smem:$0x3FB0]  }
0x2c: {  	s7 =	sld [smem:$0x3FB1]  }
0x2d: {  	s3 =	simm.s32 $0x108;
	s8 =	sld [smem:$0x3FB2]  }
0x2e: {  	s3 =	simm.s32 @!p0 $0x1082;
	s9 =	sld [smem:$0x3FB3]  }
0x2f: {  	lr =	sadd.s32 s0, s3;
	s0 =	sld [smem:$0x3FAA]  }
0x30: {  	s3 =	sld [smem:$0x3FAD]  }
0x31: {  	[smem:$0x3FB6] =	sst s10  }
0x32: {  	s10 =	sld [smem:$0x3FB4];
	_ =	sdelay $0x3  }
0x33: {  	p0 =	seq.s32 s10, $0x1;
	s10 =	sld [smem:$0x3FB6];
	_ =	sdelay $0x3  }
0x34: {  	[smem:$0x3FB6] =	sst s10  }
0x35: {  	s10 =	sld [smem:$0x3FB5];
	_ =	sdelay $0x3  }
0x36: {  	p1 =	seq.s32 s10, $0x1;
	s10 =	sld [smem:$0x3FB6];
	_ =	sdelay $0x3  }
0x37: {  	[smem:$0x3FB6] =	sst s10  }
0x38: {  	s10 =	sld [smem:$0x3FB7]  }
0x39: {  	_ = 	snop;
	(pc) =	sbr.ind lr, $3  }
0x3a: {  	_ = 	snop  }
0x3b: {  	_ = 	snop  }
0x3c: {  	p2 =	seq.s32 s10, $0x1;
	s10 =	sld [smem:$0x3FB6]  }
0x3d: {  	_ =	shalt  }
0x3e: {  	_ =	shalt  }
0x3f: {  	_ =	shalt  }
0x40: {  	_ =	shalt  }
0x41: {  	_ =	shalt  }
0x42: {  	_ =	shalt  }
0x43: {  	_ =	shalt  }
0x44: {  	_ =	shalt  }
0x45: {  	_ =	shalt  }
0x46: {  	_ =	shalt  }
0x47: {  	_ =	shalt  }
0x48: {  	_ =	shalt  }
0x49: {  	_ =	shalt  }
0x4a: {  	_ =	shalt  }
0x4b: {  	_ =	shalt  }
0x4c: {  	_ =	shalt  }
0x4d: {  	_ =	shalt  }
0x4e: {  	_ =	shalt  }
0x4f: {  	_ =	shalt  }
0x50: {  	_ =	shalt  }
0x51: {  	_ =	shalt  }
0x52: {  	_ =	shalt  }
0x53: {  	_ =	shalt  }
0x54: {  	_ =	shalt  }
0x55: {  	_ =	shalt  }
0x56: {  	_ =	shalt  }
0x57: {  	_ =	shalt  }
0x58: {  	_ =	shalt  }
0x59: {  	_ =	shalt  }
0x5a: {  	_ =	shalt  }
0x5b: {  	_ =	shalt  }
0x5c: {  	_ =	shalt  }
0x5d: {  	_ =	shalt  }
0x5e: {  	_ =	shalt  }
0x5f: {  	_ =	shalt  }
0x60: {  	_ =	shalt  }
0x61: {  	_ =	shalt  }
0x62: {  	_ =	shalt  }
0x63: {  	_ =	shalt  }
0x64: {  	_ =	shalt  }
0x65: {  	_ =	shalt  }
0x66: {  	_ =	shalt  }
0x67: {  	_ =	shalt  }
0x68: {  	_ =	shalt  }
0x69: {  	_ =	shalt  }
0x6a: {  	_ =	shalt  }
0x6b: {  	_ =	shalt  }
0x6c: {  	_ =	shalt  }
0x6d: {  	_ =	shalt  }
0x6e: {  	_ =	shalt  }
0x6f: {  	_ =	shalt  }
0x70: {  	_ =	shalt  }
0x71: {  	_ =	shalt  }
0x72: {  	_ =	shalt  }
0x73: {  	_ =	shalt  }
0x74: {  	_ =	shalt  }
0x75: {  	_ =	shalt  }
0x76: {  	_ =	shalt  }
0x77: {  	_ =	shalt  }
0x78: {  	_ =	shalt  }
0x79: {  	_ =	shalt  }
0x7a: {  	_ =	shalt  }
0x7b: {  	_ =	shalt  }
0x7c: {  	_ =	shalt  }
0x7d: {  	_ =	shalt  }
0x7e: {  	_ =	shalt  }
0x7f: {  	_ =	shalt  }
0x80: {  	_ =	shalt  }
0x81: {  	_ =	shalt  }
0x82: {  	_ =	shalt  }
0x83: {  	_ =	shalt  }
0x84: {  	_ =	shalt  }
0x85: {  	_ =	shalt  }
0x86: {  	_ =	shalt  }
0x87: {  	_ =	shalt  }
.Lfunc_end0:
.L_simem_size_0:
called_computation_lowered:
.L_overlay_start_0:
0x88: {  	s2 =	sld [smem:$0x3FD9]  }
0x89: {  	s3 =	sld [smem:$0x3FFE];
	_ =	sdelay $0x1  }
0x8a: {  	s1 =	srdreg.scid  }
0x8b: {  	s0 =	sand.u32 $0x1, s1  }
0x8c: {  	s17 =	sshll.u32 s0, $0xA;
	s2 =	sadd.s32 s3, s2  }
0x8d: {  	s2 =	sadd.s32 s2, s17  }
0x8e: {  	[smem:$0x3FC2] =	sst s2  }
0x8f: {  	_ = 	snop  }
0x90: {  	s2 =	sld [smem:$0x3FD0];
	(tm) =	ssettm $0x1  }
0x91: {  	s18 =	sld [smem:$0x3FFB];
	_ =	sdelay $0x3  }
0x92: {  	_ =	strace s18  }
0x93: {  	s3 =	sld [smem:$0x3FFC];
	_ =	sdelay $0x3  }
0x94: {  	_ =	strace s3  }
0x95: {  	s3 =	sld [smem:$0x3FFD];
	_ =	sdelay $0x3  }
0x96: {  	_ =	strace s3  }
0x97: {  	_ =	strace $0x8FFFFFFF  }
0x98: {  	s19 =	sld [smem:$0x3FDB];
	_ =	sdelay $0x1  }
0x99: {  	s4 =	simm.s32 $_scs_section_size  }
0x9a: {  	s5 =	simm.s32 $_size__tile_overlayer_lowered;
	s6 =	simm.s32 $_tile_overlayer_lowered  }
0x9b: {  	s22 =	simm.s32 $0x1BFF;
	s21 =	sshll.u32 s6, $0x1;
	s3 =	sadd.s32 s4, s19  }
0x9c: {  	s7 =	simm.s32 $0x0;
	s20 =	sshll.u32 s5, $0x1;
	s5 =	sadd.s32 s21, s3  }
0x9d: {  	[timem:s7], [sflag:s22] =	dma.local [hbm:s5], s20  }
0x9e: {  	_ =	swait.ge [sflag:s22], s20  }
0x9f: {  	s4 =	ssub.s32 $0x0, s20;
	[sflag:s22] =	ssyncset.done $0x0  }
0xa0: {  	[sflag:s22] =	ssyncadd.s32 s4;
	_ =	sdelay $0x1  }
0xa1: {  	s23 =	simm.s32 $0x1B8B  }
0xa2: {  	_ =	swait.ge [sflag:s23], $0x1  }
0xa3: {  	[sflag:s23] =	ssyncset.done $0x0  }
0xa4: {  	s25 =	simm.s32 $0x1B8E;
	s24 =	sld [smem:$0x3FFE];
	[sflag:s23] =	ssyncadd.s32 $0xFFFFFFFF  }
0xa5: {  	s26 =	simm.s32 $execute0_lowered;
	[smem:$0x3FD2] =	sst s25  }
0xa6: {  	s5 =	sshll.u32 s26, $0x1;
	_ =	strace $0x80000046;
	[dreg:$0x1] =	wrdreg $0xFFFFFFFF  }
0xa7: {  	s28 =	simm.s32 $_size_execute0_lowered;
	s3 =	sadd.s32 s3, s5;
	[dreg:$0x0] =	wrdreg $0x0  }
0xa8: {  	s5 =	sshll.u32 s28, $0x1;
	[dreg:$0x2] =	wrdreg s3  }
0xa9: {  	[dreg:$0x3] =	wrdreg s5  }
0xaa: {  	[dreg:$0x4] =	wrdreg $0xC0  }
0xab: {  	_ =	task [dreg:s7], $0x5FFFF  }
0xac: {  	[dreg:$0x1] =	wrdreg $0xFFFFFFFF  }
0xad: {  	[dreg:$0x0] =	wrdreg $0x60  }
0xae: {  	[dreg:$0x2] =	wrdreg s24  }
0xaf: {  	[dreg:$0x3] =	wrdreg s2  }
0xb0: {  	[dreg:$0x4] =	wrdreg $0x9  }
0xb1: {  	_ =	task.clear_ibuf [dreg:s7], $0x5FFFF;
	_ =	strace $0x90000046  }
0xb2: {  	s29 =	simm.s32 $0x9;
	_ =	strace $0x80000048  }
0xb3: {  	_ =	swait.ge [sflag:s29], $0x1  }
0xb4: {  	[sflag:s29] =	ssyncadd.s32 $0xFFFFFFFF  }
0xb5: {  	_ =	strace $0x90000048  }
0xb6: {  	_ =	sfence  }
0xb7: {  	s30 =	sld [smem:$0x0];
	_ =	sdelay $0x2  }
0xb8: {  	s31 =	sshll.u32 s1, $0xD;
	s1 =	sshrl.u32 s1, $0x2  }
0xb9: {  	s3 =	sand.u32 $0x4000, s31;
	s1 =	sadd.s32 s1, s30  }
0xba: {  	s0 =	sor.u32 s3, s0;
	s1 =	sshll.u32 s1, $0x11  }
0xbb: {  	s0 =	sor.u32 s1, s0  }
0xbc: {  	s0 =	sadd.s32 $0x8F2B, s0  }
0xbd: {  	[sflag:s0] =	ssyncadd.remote.s32 $0x1  }
0xbe: {  	_ =	sfence.sel $0xFFFF  }
0xbf: {  	[dreg:$0x0] =	wrdreg $0xFFFFFFFF;
	(pc) =	sbr.abs _section_cstart, $3  }
0xc0: {  	[dreg:$0x1] =	wrdreg $0xFFFFFFFF  }
0xc1: {  	_ =	task.clear_ibuf [dreg:s7], $0x2FFFF;
	_ =	strace $0x9FFFFFFF  }
0xc2: {  	(tm) =	ssettm $0x7FFFFFFF  }
0xc3: {  	_ =	shalt  }
tec
execute0_lowered:
.L_overlay_start_1:
0x0: {  	(tag) =	ssettag $0x1  }
0x1: {  	s3 =	rddreg [dreg:$0x0];
	s1 =	srdreg.scid  }
0x2: {  	s0 =	stileid.u32;
	s4 =	rddreg [dreg:$0x1];
	s9 =	simm.s32 $0x400  }
0x3: {  	s5 =	sand.u32 $0x1, s1;
	s2 =	sshll.u32 s0, $0x1;
	s8 =	sshrl.u32 s0, $0x2  }
0x4: {  	s1 =	rddreg [dreg:$0x2];
	s6 =	sor.u32 s5, s2;
	s8 =	smul.u32 $0x14000, s8  }
0x5: {  	s2 =	simm.s32 $0x0;
	s5 =	ssub.s32 $0x2, s5;
	s7 =	smul.u32 $0x271, s6  }
0x6: {  	[smem:$0x7FF] =	sst s2;
	s6 =	sshll.u32 s6, $0x7;
	s31 =	sshrl.u32 s5, $0x1  }
0x7: {  	_ =	strace $0x80000047;
	s6 =	sand.u32 $0x380, s6;
	s5 =	ssub.s32 s5, s31  }
0x8: {  	s3 =	sadd.s32 s7, s3;
	s6 =	sor.u32 s8, s6;
	s5 =	smax.u32 s5, $0x1  }
0x9: {  	s7 =	simm.s32 $0x1400;
	s8 =	simm.s32 $0x80;
	s6 =	sshrl.u32 s6, $0x3  }
0xa: {  	v0 =	vimm.f32 $0.0e+00;
	v1 =	vimm.s32 $0x0;
	v2 =	vimm.f32 $1.000000000e+00;
	s3 =	sadd.s32 $0x3400, s3;
	s4 =	sadd.s32 s4, s6;
	s6 =	simm.s32 $0x1  }
.LBB2_1:
0xb: {  	s10 =	simm.s32 $0x40;
	s11 =	simm.s32 $0x0  }
.LBB2_2:
0xc: {  	p0 =	sne.s32 s10, $0x9FC0;
	[tilespmem:s11+$0x1400] =	vst v0;
	s11 =	smov.u32 s10;
	s10 =	sadd.s32 $0x40, s10  }
.Ltmp0:
0xd: {  	(pc) =	sbr.rel @p0 .LBB2_2-.Ltmp0, $2  }
0xe: {  	_ =	sdelay $0x2  }
0xf: {  	s11 =	sshra.s32 s11, $0x2  }
0x10: {  	[tilespmem:s11+$0x1400] =	vst v0  }
0x11: {  	s10 =	simm.s32 $0x0;
	[tilespmem:$0x1380] =	vst v1  }
0x12: {  	[tilespmem:s10], [sflag:$0x1] =	stream.linear.gather [hbm4b:s3+s10], $0x1388, $0x38;
	[tilespmem:$0x3C00] =	vst v63  }
0x13: {  	_ =	swait.ge [sflag:s6], $0x1388  }
0x14: {  	[sflag:s6] =	ssyncset.done $0x0  }
0x15: {  	s11 =	simm.s32 $0x0;
	s10 =	simm.s32 $0x40;
	[sflag:s6] =	ssyncadd.s32 $0xFFFFEC78  }
.LBB2_4:
0x16: {  	p0 =	sne.s32 s10, $0x4DC0;
	v3 =	vld [tilespmem:s11+$0x0];
	_ =	sdelay $0x3  }
.Ltmp1:
0x17: {  	(pc) =	sbr.rel @p0 .LBB2_4-.Ltmp1, $2  }
0x18: {  	_ =	sdelay $0x2  }
0x19: {  	s11 =	sshra.s32 s10, $0x2;
	s10 =	sadd.s32 $0x40, s10;
	[tilespmem:v3+s7+$0x0] =	vst.idx.add.f32.msk $0xffff, v2  }
0x1a: {  	v3 =	vld [tilespmem:s11+$0x0];
	_ =	sdelay $0x7  }
0x1b: {  	[tilespmem:v3+s7+$0x0] =	vst.idx.add.f32.msk $0xffff, v2  }
0x1c: {  	v3 =	vld [tilespmem:$0x1380];
	_ =	sdelay $0x5  }
0x1d: {  	s2 =	sadd.s32 $0x1, s2  }
0x1e: {  	p0 =	sne.s32 s2, s5  }
.Ltmp2:
0x1f: {  	[tilespmem:v3+s7+$0x0] =	vst.idx.add.f32.msk $0xff, v2;
	(pc) =	sbr.rel @p0 .LBB2_1-.Ltmp2, $4  }
0x20: {  	[hbm4b:s4+s8] =	stream.strided.scatter [tilespmem:s7], [sflag:$0x1], $0x2800, s9, s8, $0x38;
	[tilespmem:$0x3C00] =	vst v63  }
0x21: {  	_ =	swait.ge [sflag:s6], $0x2800  }
0x22: {  	[sflag:s6] =	ssyncset.done $0x0  }
0x23: {  	[sflag:s6] =	ssyncadd.s32 $0xFFFFD800  }
0x24: {  	_ =	sfence.sel $0x180000  }
0x25: {  	[bflag:$0x0] =	sbarrier.arrive $0xFFFF  }
0x26: {  	p0 =	sne.s32 s0, $0x0;
	_ =	strace $0x90000047  }
0x27: {  	s0 =	sadd.s32 @!p0 $0x100000, s1;
	[bflag:$0x2] =	sbarrier.arrive $0xFFFF  }
0x28: {  	[sflag:s0] =	ssyncadd.tile.s32 @!p0 $0x1;
	_ =	shalt  }
.Lfunc_end2:
_tile_overlayer_lowered:
.L_overlay_start_2:
0x29: {  	(tag) =	ssettag $0x2  }
0x2a: {  	s0 =	rddreg [dreg:$0x0];
	s2 =	stileid.u32  }
0x2b: {  	s1 =	rddreg [dreg:$0x1];
	p0 =	sne.s32 s2, $0x0  }
0x2c: {  	s3 =	rddreg [dreg:$0x2];
	[bflag:$0x3] =	sbarrier.arrive $0xFFFF;
	s2 =	simm.s32 @!p0 $0x1C01  }
0x2d: {  	[timem:s3], [sflag:s2] =	dma.local @!p0 [hbm:s0], s1  }
0x2e: {  	s0 =	simm.s32 @!p0 $0x1  }
0x2f: {  	_ =	swait.ge @!p0 [sflag:s0], s1  }
0x30: {  	s1 =	ssub.s32 @!p0 $0x0, s1;
	[sflag:s0] =	ssyncset.done @!p0 $0x0  }
0x31: {  	[sflag:s0] =	ssyncadd.s32 @!p0 s1  }
0x32: {  	[bflag:$0x3] =	sbarrier.arrive $0xFFFF  }
0x33: {  	_ =	shalt  }

</sc_bundles>
